<compile_context>
chip_gen: v7x
topology: tpu7x:2x2x1
jax: 0.10.2.dev20260603
libtpu: 0.0.44.dev20260713+nightly
codegen_flags: <defaults>
</compile_context>

<pallas_src>
import functools

import jax
import jax.numpy as jnp
from jax import lax
from jax.experimental import pallas as pl
from jax.experimental.pallas import tpu as pltpu
from jax.experimental.pallas import tpu_sc as plsc

N_NODES = 10000
N_EDGES = 320000
D = 128
K_B = 9

NC = 2
NS = 16
NW = NC * NS

CHUNK = 128
CPW = 79
E_PAD = NW * CPW * CHUNK
N_PAD = 10240

_SC_MESH = plsc.VectorSubcoreMesh(
    core_axis_name="c", subcore_axis_name="s", num_cores=NC, num_subcores=NS)


@functools.partial(
    pl.kernel,
    out_type=jax.ShapeDtypeStruct((E_PAD, D), jnp.float32),
    mesh=_SC_MESH,
    scratch_types=[
        pltpu.VMEM((CHUNK,), jnp.int32),
        pltpu.VMEM((CHUNK, D), jnp.float32),
        pltpu.SemaphoreType.DMA,
    ],
)
def _sc_gather(x_hbm, src_hbm, out_hbm, idx_v, rows_v, sem):
    c = lax.axis_index("c")
    s = lax.axis_index("s")
    base_chunk = (c * NS + s) * CPW

    def body(i, _):
        b = pl.multiple_of((base_chunk + i) * CHUNK, CHUNK)
        pltpu.sync_copy(src_hbm.at[pl.ds(b, CHUNK)], idx_v)
        pltpu.async_copy(x_hbm.at[idx_v], rows_v, sem).wait()
        pltpu.sync_copy(rows_v, out_hbm.at[pl.ds(b, CHUNK)])
        return 0

    lax.fori_loop(0, CPW, body, 0)


@functools.partial(
    pl.kernel,
    out_type=jax.ShapeDtypeStruct((NC, N_PAD, D), jnp.float32),
    mesh=_SC_MESH,
    scratch_types=[
        pltpu.VMEM((CHUNK,), jnp.int32),
        pltpu.VMEM((CHUNK, D), jnp.float32),
        pltpu.VMEM_SHARED((N_PAD, D), jnp.float32),
    ],
)
def _sc_scatter(acc_hbm, dst_hbm, zeros_hbm, out_hbm, idx_v, buf_v, agg_sh):
    c = lax.axis_index("c")
    s = lax.axis_index("s")

    def zbody(j, _):
        r = pl.multiple_of(s * 640 + j * CHUNK, CHUNK)
        pltpu.sync_copy(zeros_hbm.at[pl.ds(r, CHUNK)], agg_sh.at[pl.ds(r, CHUNK)])
        return 0

    lax.fori_loop(0, 5, zbody, 0)
    plsc.subcore_barrier()

    base_chunk = (c * NS + s) * CPW

    def body(i, _):
        b = pl.multiple_of((base_chunk + i) * CHUNK, CHUNK)
        pltpu.sync_copy(dst_hbm.at[pl.ds(b, CHUNK)], idx_v)
        pltpu.sync_copy(acc_hbm.at[pl.ds(b, CHUNK)], buf_v)
        pltpu.sync_copy(buf_v, agg_sh.at[idx_v], add=True)
        return 0

    lax.fori_loop(0, CPW, body, 0)
    plsc.subcore_barrier()

    def wbody(j, _):
        r = pl.multiple_of(s * 640 + j * CHUNK, CHUNK)
        pltpu.sync_copy(agg_sh.at[pl.ds(r, CHUNK)], out_hbm.at[c, pl.ds(r, CHUNK)])
        return 0

    lax.fori_loop(0, 5, wbody, 0)


BE = 2048


def _mm_body(ea_ref, xg_ref, w_ref, o_ref):
    u0 = ea_ref[:, 0:1]
    u1 = ea_ref[:, 1:2]
    bx = (0.5 * (1.0 - u0) ** 2, -u0 * u0 + u0 + 0.5, 0.5 * u0 * u0)
    by = (0.5 * (1.0 - u1) ** 2, -u1 * u1 + u1 + 0.5, 0.5 * u1 * u1)
    xgb = xg_ref[...]
    acc = jnp.zeros((BE, D), jnp.float32)
    for i in range(3):
        for j in range(3):
            t = jnp.dot(xgb, w_ref[i * 3 + j], preferred_element_type=jnp.float32)
            acc = acc + (bx[i] * by[j]) * t
    rows = pl.program_id(0) * BE + lax.broadcasted_iota(jnp.int32, (BE, 1), 0)
    o_ref[...] = jnp.where(rows < N_EDGES, acc, 0.0)


def _tc_edge_mm(ea, xg, w):
    return pl.pallas_call(
        _mm_body,
        grid=(E_PAD // BE,),
        in_specs=[
            pl.BlockSpec((BE, 2), lambda i: (i, 0)),
            pl.BlockSpec((BE, D), lambda i: (i, 0)),
            pl.BlockSpec((K_B, D, D), lambda i: (0, 0, 0)),
        ],
        out_specs=pl.BlockSpec((BE, D), lambda i: (i, 0)),
        out_shape=jax.ShapeDtypeStruct((E_PAD, D), jnp.float32),
    )(ea, xg, w)


BN = 1000


def _finish_body(p_ref, x_ref, root_ref, b_ref, o_ref):
    t = jnp.dot(x_ref[...], root_ref[...], preferred_element_type=jnp.float32)
    t = t + p_ref[0] + p_ref[1] + b_ref[...]
    o_ref[...] = jnp.maximum(t, 0.0)


def _tc_finish(parts, x, root, b):
    return pl.pallas_call(
        _finish_body,
        grid=(N_NODES // BN,),
        in_specs=[
            pl.BlockSpec((NC, BN, D), lambda i: (0, i, 0)),
            pl.BlockSpec((BN, D), lambda i: (i, 0)),
            pl.BlockSpec((D, D), lambda i: (0, 0)),
            pl.BlockSpec((1, D), lambda i: (0, 0)),
        ],
        out_specs=pl.BlockSpec((BN, D), lambda i: (i, 0)),
        out_shape=jax.ShapeDtypeStruct((N_NODES, D), jnp.float32),
    )(parts, x, root, b)


def kernel(x, edge_index, edge_attr, W1, root1, b1, W2, root2, b2):
    src = edge_index[0].astype(jnp.int32)
    dst = edge_index[1].astype(jnp.int32)
    pad_e = E_PAD - N_EDGES
    src_p = jnp.pad(src, (0, pad_e))
    dst_p = jnp.pad(dst, (0, pad_e))
    ea_p = jnp.pad(edge_attr.astype(jnp.float32), ((0, pad_e), (0, 0)))
    zeros = jnp.zeros((N_PAD, D), jnp.float32)

    h = x
    for w, root, b in ((W1, root1, b1), (W2, root2, b2)):
        xg = _sc_gather(h, src_p)
        acc = _tc_edge_mm(ea_p, xg, w)
        parts = _sc_scatter(acc, dst_p, zeros)
        h = _tc_finish(parts, h, root, b.reshape(1, D))
    return h

# --- scband reference (transcript-rebuilt; emitter-appended) ---
"""Pipeline reference for scband-mesh-encoder-39444979647130 (READ-ONLY COPY).

The authoritative reference and input builder live on the scoring server;
editing this copy changes nothing except your own understanding.
"""

import jax, jax.numpy as jnp
import numpy as np

N_NODES = 10000
N_EDGES = 320000
D = 128
K_BASIS = 9  # (degree+1)^dim with kernel_size=[3,3], degree=2, dim=2


def _bspline_basis_2d(u):
    # u: [E, 2] pseudo-coordinates in [0, 1].
    # Open degree-2 B-spline with kernel_size=3 per dim: v = u * (K - degree) = u,
    # floor(v) == 0, so all 3 basis functions per dim are active.
    b0 = 0.5 * (1.0 - u) ** 2
    b1 = -u ** 2 + u + 0.5
    b2 = 0.5 * u ** 2
    b = jnp.stack([b0, b1, b2], axis=-1)  # [E, 2, 3]
    bx = b[:, 0, :]
    by = b[:, 1, :]
    return (bx[:, :, None] * by[:, None, :]).reshape(u.shape[0], K_BASIS)  # [E, 9]


def _spline_conv(x, src, dst, basis, W, root, bias, n_nodes):
    # SplineConv(in, out, dim=2, kernel_size=[3,3], degree=2, aggr='add')
    x_src = jnp.take(x, src, axis=0)  # gather source node features [E, in]
    acc = jnp.zeros((x_src.shape[0], W.shape[2]), dtype=x.dtype)
    for k in range(W.shape[0]):
        acc = acc + basis[:, k:k + 1] * (x_src @ W[k])
    agg = jax.ops.segment_sum(acc, dst, num_segments=n_nodes)  # scatter-add
    return agg + x @ root + bias


def setup_inputs(seed: int = 0) -> dict:
    key = jax.random.key(seed)
    ks = jax.random.split(key, 10)
    x = jax.random.normal(ks[0], (N_NODES, D), dtype=jnp.float32)
    edge_index = jax.random.randint(ks[1], (2, N_EDGES), 0, N_NODES, dtype=jnp.int64)
    edge_attr = jax.random.uniform(ks[2], (N_EDGES, 2), dtype=jnp.float32)
    s = 0.05
    W1 = jax.random.normal(ks[3], (K_BASIS, D, D), dtype=jnp.float32) * s
    root1 = jax.random.normal(ks[4], (D, D), dtype=jnp.float32) * s
    b1 = jnp.zeros((D,), dtype=jnp.float32)
    W2 = jax.random.normal(ks[5], (K_BASIS, D, D), dtype=jnp.float32) * s
    root2 = jax.random.normal(ks[6], (D, D), dtype=jnp.float32) * s
    b2 = jnp.zeros((D,), dtype=jnp.float32)
    return {"x": x, "edge_index": edge_index, "edge_attr": edge_attr,
            "W1": W1, "root1": root1, "b1": b1,
            "W2": W2, "root2": root2, "b2": b2}


def reference(x, edge_index, edge_attr, W1, root1, b1, W2, root2, b2):
    # MeshEncoder(convs=[128,128]) -> single DownConv(pool=False):
    #   v = relu(conv1(x, edges, attr)); v = relu(conv2(v, edges, attr))
    src = edge_index[0]
    dst = edge_index[1]
    basis = _bspline_basis_2d(edge_attr)
    n = x.shape[0]
    h = jax.nn.relu(_spline_conv(x, src, dst, basis, W1, root1, b1, n))
    h = jax.nn.relu(_spline_conv(h, src, dst, basis, W2, root2, b2, n))
    return h

if __name__ == "__main__":
    import jax
    _d = setup_inputs()
    print(jax.jit(kernel)(*tuple(_d.values())))

</pallas_src>

<mosaic_0001>
#map = affine_map<(d0, d1) -> (0, 0)>
#map1 = affine_map<(d0, d1) -> (0)>
module attributes {stable_mosaic.version = 14 : i64} {
  func.func @_sc_gather(%arg0: i32, %arg1: i32, %arg2: memref<10000x128xf32, #tpu.memory_space<hbm>>, %arg3: memref<323584xi32, #tpu.memory_space<hbm>>, %arg4: memref<323584x128xf32, #tpu.memory_space<hbm>>, %arg5: memref<128xi32, #tpu.memory_space<vmem>>, %arg6: memref<128x128xf32, #tpu.memory_space<vmem>>, %arg7: memref<!tpu.dma_semaphore, #tpu.memory_space<semaphore_mem>>) attributes {dimension_semantics = [#tpu.dimension_semantics<core_parallel>, #tpu.dimension_semantics<subcore_parallel>], iteration_bounds = array<i64: 2, 16>, scalar_prefetch = 0 : i64, scratch_operands = 3 : i64, tpu.core_type = #tpu.core_type<sc_vector_subcore>, window_params = [{transform_indices = #map}, {transform_indices = #map1}, {transform_indices = #map}]} {
    %mul3A = arith.constant 16 : i32
    %mul3A_0 = arith.muli %arg0, %mul3A : i32
    %add3A = arith.addi %mul3A_0, %arg1 : i32
    %mul3A_1 = arith.constant 79 : i32
    %mul3A_2 = arith.muli %add3A, %mul3A_1 : i32
    %scan3A = arith.constant 0 : i32
    %scan3A_3 = arith.constant 0 : i32
    %scan3A_4 = arith.constant 79 : i32
    %scan3A_5 = arith.addi %scan3A_3, %scan3A_4 : i32
    %scan3A_6 = arith.constant 1 : i32
    %scan3A_7 = scf.for %scan3A_9 = %scan3A_3 to %scan3A_5 step %scan3A_6 iter_args(%scan3A_10 = %scan3A) -> (i32)  : i32 {
      %add3A_11 = arith.addi %mul3A_2, %scan3A_9 : i32
      %mul3A_12 = arith.constant 128 : i32
      %mul3A_13 = arith.muli %add3A_11, %mul3A_12 : i32
      %multiple_of3A = tpu.assume_multiple %mul3A_13, 128 : i32
      "tpu.region"() ({
        %run_scoped3A = tpu.sem_alloc : memref<!tpu.dma_semaphore, #tpu.memory_space<semaphore_mem>>
        %dma_start3A_19 = tpu.memref_slice %arg3[%multiple_of3A] : memref<323584xi32, #tpu.memory_space<hbm>> -> memref<128xi32, #tpu.memory_space<hbm>>
        %dma_start3A_20 = tpu.memref_slice %arg3[%multiple_of3A] : memref<323584xi32, #tpu.memory_space<hbm>> -> memref<128xi32, #tpu.memory_space<hbm>>
        tpu.enqueue_dma source(%dma_start3A_20 : memref<128xi32, #tpu.memory_space<hbm>>) target(%arg5 : memref<128xi32, #tpu.memory_space<vmem>>) target_semaphore(%run_scoped3A : memref<!tpu.dma_semaphore, #tpu.memory_space<semaphore_mem>>)
        %dma_wait3A_21 = tpu.memref_slice %arg3[%multiple_of3A] : memref<323584xi32, #tpu.memory_space<hbm>> -> memref<128xi32, #tpu.memory_space<hbm>>
        %dma_wait3A_22 = tpu.memref_slice %arg3[%multiple_of3A] : memref<323584xi32, #tpu.memory_space<hbm>> -> memref<128xi32, #tpu.memory_space<hbm>>
        tpu.wait_dma2 semaphore(%run_scoped3A : memref<!tpu.dma_semaphore, #tpu.memory_space<semaphore_mem>>) src(%dma_wait3A_22 : memref<128xi32, #tpu.memory_space<hbm>>) dst(%arg5 : memref<128xi32, #tpu.memory_space<vmem>>)
        tpu.yield
      }) : () -> ()
      %dma_start3A = arith.constant 0 : i32
      %dma_start3A_14 = arith.constant 0 : i32
      %dma_start3A_15 = tpu.memref_slice %arg2[%dma_start3A, %dma_start3A_14] : memref<10000x128xf32, #tpu.memory_space<hbm>> -> memref<10000x128xf32, #tpu.memory_space<hbm>>
      tpu.enqueue_indirect_dma source(%dma_start3A_15 : memref<10000x128xf32, #tpu.memory_space<hbm>>) target(%arg6 : memref<128x128xf32, #tpu.memory_space<vmem>>) offsets(%arg5 : memref<128xi32, #tpu.memory_space<vmem>>) semaphore(%arg7 : memref<!tpu.dma_semaphore, #tpu.memory_space<semaphore_mem>>)
      %dma_wait3A = arith.constant 0 : i32
      %dma_wait3A_16 = arith.constant 0 : i32
      %dma_wait3A_17 = tpu.memref_slice %arg2[%dma_wait3A, %dma_wait3A_16] : memref<10000x128xf32, #tpu.memory_space<hbm>> -> memref<10000x128xf32, #tpu.memory_space<hbm>>
      tpu.wait_indirect_dma semaphore(%arg7 : memref<!tpu.dma_semaphore, #tpu.memory_space<semaphore_mem>>) src(%dma_wait3A_17 : memref<10000x128xf32, #tpu.memory_space<hbm>>) dst(%arg6 : memref<128x128xf32, #tpu.memory_space<vmem>>)
      "tpu.region"() ({
        %run_scoped3A = tpu.sem_alloc : memref<!tpu.dma_semaphore, #tpu.memory_space<semaphore_mem>>
        %dma_start3A_19 = arith.constant 0 : i32
        %dma_start3A_20 = tpu.memref_slice %arg4[%multiple_of3A, %dma_start3A_19] : memref<323584x128xf32, #tpu.memory_space<hbm>> -> memref<128x128xf32, #tpu.memory_space<hbm>>
        %dma_start3A_21 = arith.constant 0 : i32
        %dma_start3A_22 = tpu.memref_slice %arg4[%multiple_of3A, %dma_start3A_21] : memref<323584x128xf32, #tpu.memory_space<hbm>> -> memref<128x128xf32, #tpu.memory_space<hbm>>
        tpu.enqueue_dma source(%arg6 : memref<128x128xf32, #tpu.memory_space<vmem>>) target(%dma_start3A_22 : memref<128x128xf32, #tpu.memory_space<hbm>>) target_semaphore(%run_scoped3A : memref<!tpu.dma_semaphore, #tpu.memory_space<semaphore_mem>>)
        %dma_wait3A_23 = arith.constant 0 : i32
        %dma_wait3A_24 = tpu.memref_slice %arg4[%multiple_of3A, %dma_wait3A_23] : memref<323584x128xf32, #tpu.memory_space<hbm>> -> memref<128x128xf32, #tpu.memory_space<hbm>>
        %dma_wait3A_25 = arith.constant 0 : i32
        %dma_wait3A_26 = tpu.memref_slice %arg4[%multiple_of3A, %dma_wait3A_25] : memref<323584x128xf32, #tpu.memory_space<hbm>> -> memref<128x128xf32, #tpu.memory_space<hbm>>
        tpu.wait_dma2 semaphore(%run_scoped3A : memref<!tpu.dma_semaphore, #tpu.memory_space<semaphore_mem>>) src(%arg6 : memref<128x128xf32, #tpu.memory_space<vmem>>) dst(%dma_wait3A_26 : memref<128x128xf32, #tpu.memory_space<hbm>>)
        tpu.yield
      }) : () -> ()
      %scan3A_18 = arith.constant 0 : i32
      scf.yield %scan3A_18 : i32
    }
    %scan3A_8 = arith.constant 79 : i32
    return
  }
}

#map = affine_map<(d0, d1) -> (0, 0)>
#map1 = affine_map<(d0, d1) -> (0)>
module attributes {stable_mosaic.version = 14 : i64} {
  func.func @_sc_gather(%arg0: i32, %arg1: i32, %arg2: memref<10000x128xf32, #tpu.memory_space<hbm>>, %arg3: memref<323584xi32, #tpu.memory_space<hbm>>, %arg4: memref<323584x128xf32, #tpu.memory_space<hbm>>, %arg5: memref<128xi32, #tpu.memory_space<vmem>>, %arg6: memref<128x128xf32, #tpu.memory_space<vmem>>, %arg7: memref<!tpu.dma_semaphore, #tpu.memory_space<semaphore_mem>>) attributes {dimension_semantics = [#tpu.dimension_semantics<core_parallel>, #tpu.dimension_semantics<subcore_parallel>], iteration_bounds = array<i64: 2, 16>, scalar_prefetch = 0 : i64, scratch_operands = 3 : i64, tpu.core_type = #tpu.core_type<sc_vector_subcore>, window_params = [{transform_indices = #map}, {transform_indices = #map1}, {transform_indices = #map}]} {
    %mul3A = arith.constant 16 : i32
    %mul3A_0 = arith.muli %arg0, %mul3A : i32
    %add3A = arith.addi %mul3A_0, %arg1 : i32
    %mul3A_1 = arith.constant 79 : i32
    %mul3A_2 = arith.muli %add3A, %mul3A_1 : i32
    %scan3A = arith.constant 0 : i32
    %scan3A_3 = arith.constant 0 : i32
    %scan3A_4 = arith.constant 79 : i32
    %scan3A_5 = arith.addi %scan3A_3, %scan3A_4 : i32
    %scan3A_6 = arith.constant 1 : i32
    %scan3A_7 = scf.for %scan3A_9 = %scan3A_3 to %scan3A_5 step %scan3A_6 iter_args(%scan3A_10 = %scan3A) -> (i32)  : i32 {
      %add3A_11 = arith.addi %mul3A_2, %scan3A_9 : i32
      %mul3A_12 = arith.constant 128 : i32
      %mul3A_13 = arith.muli %add3A_11, %mul3A_12 : i32
      %multiple_of3A = tpu.assume_multiple %mul3A_13, 128 : i32
      "tpu.region"() ({
        %run_scoped3A = tpu.sem_alloc : memref<!tpu.dma_semaphore, #tpu.memory_space<semaphore_mem>>
        %dma_start3A_19 = tpu.memref_slice %arg3[%multiple_of3A] : memref<323584xi32, #tpu.memory_space<hbm>> -> memref<128xi32, #tpu.memory_space<hbm>>
        %dma_start3A_20 = tpu.memref_slice %arg3[%multiple_of3A] : memref<323584xi32, #tpu.memory_space<hbm>> -> memref<128xi32, #tpu.memory_space<hbm>>
        tpu.enqueue_dma source(%dma_start3A_20 : memref<128xi32, #tpu.memory_space<hbm>>) target(%arg5 : memref<128xi32, #tpu.memory_space<vmem>>) target_semaphore(%run_scoped3A : memref<!tpu.dma_semaphore, #tpu.memory_space<semaphore_mem>>)
        %dma_wait3A_21 = tpu.memref_slice %arg3[%multiple_of3A] : memref<323584xi32, #tpu.memory_space<hbm>> -> memref<128xi32, #tpu.memory_space<hbm>>
        %dma_wait3A_22 = tpu.memref_slice %arg3[%multiple_of3A] : memref<323584xi32, #tpu.memory_space<hbm>> -> memref<128xi32, #tpu.memory_space<hbm>>
        tpu.wait_dma2 semaphore(%run_scoped3A : memref<!tpu.dma_semaphore, #tpu.memory_space<semaphore_mem>>) src(%dma_wait3A_22 : memref<128xi32, #tpu.memory_space<hbm>>) dst(%arg5 : memref<128xi32, #tpu.memory_space<vmem>>)
        tpu.yield
      }) : () -> ()
      %dma_start3A = arith.constant 0 : i32
      %dma_start3A_14 = arith.constant 0 : i32
      %dma_start3A_15 = tpu.memref_slice %arg2[%dma_start3A, %dma_start3A_14] : memref<10000x128xf32, #tpu.memory_space<hbm>> -> memref<10000x128xf32, #tpu.memory_space<hbm>>
      tpu.enqueue_indirect_dma source(%dma_start3A_15 : memref<10000x128xf32, #tpu.memory_space<hbm>>) target(%arg6 : memref<128x128xf32, #tpu.memory_space<vmem>>) offsets(%arg5 : memref<128xi32, #tpu.memory_space<vmem>>) semaphore(%arg7 : memref<!tpu.dma_semaphore, #tpu.memory_space<semaphore_mem>>)
      %dma_wait3A = arith.constant 0 : i32
      %dma_wait3A_16 = arith.constant 0 : i32
      %dma_wait3A_17 = tpu.memref_slice %arg2[%dma_wait3A, %dma_wait3A_16] : memref<10000x128xf32, #tpu.memory_space<hbm>> -> memref<10000x128xf32, #tpu.memory_space<hbm>>
      tpu.wait_indirect_dma semaphore(%arg7 : memref<!tpu.dma_semaphore, #tpu.memory_space<semaphore_mem>>) src(%dma_wait3A_17 : memref<10000x128xf32, #tpu.memory_space<hbm>>) dst(%arg6 : memref<128x128xf32, #tpu.memory_space<vmem>>)
      "tpu.region"() ({
        %run_scoped3A = tpu.sem_alloc : memref<!tpu.dma_semaphore, #tpu.memory_space<semaphore_mem>>
        %dma_start3A_19 = arith.constant 0 : i32
        %dma_start3A_20 = tpu.memref_slice %arg4[%multiple_of3A, %dma_start3A_19] : memref<323584x128xf32, #tpu.memory_space<hbm>> -> memref<128x128xf32, #tpu.memory_space<hbm>>
        %dma_start3A_21 = arith.constant 0 : i32
        %dma_start3A_22 = tpu.memref_slice %arg4[%multiple_of3A, %dma_start3A_21] : memref<323584x128xf32, #tpu.memory_space<hbm>> -> memref<128x128xf32, #tpu.memory_space<hbm>>
        tpu.enqueue_dma source(%arg6 : memref<128x128xf32, #tpu.memory_space<vmem>>) target(%dma_start3A_22 : memref<128x128xf32, #tpu.memory_space<hbm>>) target_semaphore(%run_scoped3A : memref<!tpu.dma_semaphore, #tpu.memory_space<semaphore_mem>>)
        %dma_wait3A_23 = arith.constant 0 : i32
        %dma_wait3A_24 = tpu.memref_slice %arg4[%multiple_of3A, %dma_wait3A_23] : memref<323584x128xf32, #tpu.memory_space<hbm>> -> memref<128x128xf32, #tpu.memory_space<hbm>>
        %dma_wait3A_25 = arith.constant 0 : i32
        %dma_wait3A_26 = tpu.memref_slice %arg4[%multiple_of3A, %dma_wait3A_25] : memref<323584x128xf32, #tpu.memory_space<hbm>> -> memref<128x128xf32, #tpu.memory_space<hbm>>
        tpu.wait_dma2 semaphore(%run_scoped3A : memref<!tpu.dma_semaphore, #tpu.memory_space<semaphore_mem>>) src(%arg6 : memref<128x128xf32, #tpu.memory_space<vmem>>) dst(%dma_wait3A_26 : memref<128x128xf32, #tpu.memory_space<hbm>>)
        tpu.yield
      }) : () -> ()
      %scan3A_18 = arith.constant 0 : i32
      scf.yield %scan3A_18 : i32
    }
    %scan3A_8 = arith.constant 79 : i32
    return
  }
}

#map = affine_map<(d0, d1) -> (0, 0)>
#map1 = affine_map<(d0, d1) -> (0)>
#map2 = affine_map<(d0, d1) -> (0, 0, 0)>
module attributes {stable_mosaic.version = 14 : i64} {
  func.func @_sc_scatter(%arg0: i32, %arg1: i32, %arg2: memref<323584x128xf32, #tpu.memory_space<hbm>>, %arg3: memref<323584xi32, #tpu.memory_space<hbm>>, %arg4: memref<10240x128xf32, #tpu.memory_space<hbm>>, %arg5: memref<2x10240x128xf32, #tpu.memory_space<hbm>>, %arg6: memref<128xi32, #tpu.memory_space<vmem>>, %arg7: memref<128x128xf32, #tpu.memory_space<vmem>>, %arg8: memref<10240x128xf32, #tpu.memory_space<vmem_shared>>) attributes {dimension_semantics = [#tpu.dimension_semantics<core_parallel>, #tpu.dimension_semantics<subcore_parallel>], iteration_bounds = array<i64: 2, 16>, scalar_prefetch = 0 : i64, scratch_operands = 3 : i64, tpu.core_type = #tpu.core_type<sc_vector_subcore>, window_params = [{transform_indices = #map}, {transform_indices = #map1}, {transform_indices = #map}, {transform_indices = #map2}]} {
    %scan3A = arith.constant 0 : i32
    %scan3A_0 = arith.constant 0 : i32
    %scan3A_1 = arith.constant 5 : i32
    %scan3A_2 = arith.addi %scan3A_0, %scan3A_1 : i32
    %scan3A_3 = arith.constant 1 : i32
    %scan3A_4 = scf.for %scan3A_24 = %scan3A_0 to %scan3A_2 step %scan3A_3 iter_args(%scan3A_25 = %scan3A) -> (i32)  : i32 {
      %mul3A_26 = arith.constant 640 : i32
      %mul3A_27 = arith.muli %arg1, %mul3A_26 : i32
      %mul3A_28 = arith.constant 128 : i32
      %mul3A_29 = arith.muli %scan3A_24, %mul3A_28 : i32
      %add3A_30 = arith.addi %mul3A_27, %mul3A_29 : i32
      %multiple_of3A = tpu.assume_multiple %add3A_30, 128 : i32
      "tpu.region"() ({
        %run_scoped3A = tpu.sem_alloc : memref<!tpu.dma_semaphore, #tpu.memory_space<semaphore_mem>>
        %dma_start3A = arith.constant 0 : i32
        %dma_start3A_32 = tpu.memref_slice %arg8[%multiple_of3A, %dma_start3A] : memref<10240x128xf32, #tpu.memory_space<vmem_shared>> -> memref<128x128xf32, #tpu.memory_space<vmem_shared>>
        %dma_start3A_33 = arith.constant 0 : i32
        %dma_start3A_34 = tpu.memref_slice %arg4[%multiple_of3A, %dma_start3A_33] : memref<10240x128xf32, #tpu.memory_space<hbm>> -> memref<128x128xf32, #tpu.memory_space<hbm>>
        tpu.enqueue_dma source(%dma_start3A_34 : memref<128x128xf32, #tpu.memory_space<hbm>>) target(%dma_start3A_32 : memref<128x128xf32, #tpu.memory_space<vmem_shared>>) target_semaphore(%run_scoped3A : memref<!tpu.dma_semaphore, #tpu.memory_space<semaphore_mem>>)
        %dma_wait3A = arith.constant 0 : i32
        %dma_wait3A_35 = tpu.memref_slice %arg8[%multiple_of3A, %dma_wait3A] : memref<10240x128xf32, #tpu.memory_space<vmem_shared>> -> memref<128x128xf32, #tpu.memory_space<vmem_shared>>
        %dma_wait3A_36 = arith.constant 0 : i32
        %dma_wait3A_37 = tpu.memref_slice %arg4[%multiple_of3A, %dma_wait3A_36] : memref<10240x128xf32, #tpu.memory_space<hbm>> -> memref<128x128xf32, #tpu.memory_space<hbm>>
        tpu.wait_dma2 semaphore(%run_scoped3A : memref<!tpu.dma_semaphore, #tpu.memory_space<semaphore_mem>>) src(%dma_wait3A_37 : memref<128x128xf32, #tpu.memory_space<hbm>>) dst(%dma_wait3A_35 : memref<128x128xf32, #tpu.memory_space<vmem_shared>>)
        tpu.yield
      }) : () -> ()
      %scan3A_31 = arith.constant 0 : i32
      scf.yield %scan3A_31 : i32
    }
    %scan3A_5 = arith.constant 5 : i32
    %barrier3A = arith.constant 0 : index
    tpu.barrier barrier_id(%barrier3A)
    %mul3A = arith.constant 16 : i32
    %mul3A_6 = arith.muli %arg0, %mul3A : i32
    %add3A = arith.addi %mul3A_6, %arg1 : i32
    %mul3A_7 = arith.constant 79 : i32
    %mul3A_8 = arith.muli %add3A, %mul3A_7 : i32
    %scan3A_9 = arith.constant 0 : i32
    %scan3A_10 = arith.constant 0 : i32
    %scan3A_11 = arith.constant 79 : i32
    %scan3A_12 = arith.addi %scan3A_10, %scan3A_11 : i32
    %scan3A_13 = arith.constant 1 : i32
    %scan3A_14 = scf.for %scan3A_24 = %scan3A_10 to %scan3A_12 step %scan3A_13 iter_args(%scan3A_25 = %scan3A_9) -> (i32)  : i32 {
      %add3A_26 = arith.addi %mul3A_8, %scan3A_24 : i32
      %mul3A_27 = arith.constant 128 : i32
      %mul3A_28 = arith.muli %add3A_26, %mul3A_27 : i32
      %multiple_of3A = tpu.assume_multiple %mul3A_28, 128 : i32
      "tpu.region"() ({
        %run_scoped3A = tpu.sem_alloc : memref<!tpu.dma_semaphore, #tpu.memory_space<semaphore_mem>>
        %dma_start3A = tpu.memref_slice %arg3[%multiple_of3A] : memref<323584xi32, #tpu.memory_space<hbm>> -> memref<128xi32, #tpu.memory_space<hbm>>
        %dma_start3A_30 = tpu.memref_slice %arg3[%multiple_of3A] : memref<323584xi32, #tpu.memory_space<hbm>> -> memref<128xi32, #tpu.memory_space<hbm>>
        tpu.enqueue_dma source(%dma_start3A_30 : memref<128xi32, #tpu.memory_space<hbm>>) target(%arg6 : memref<128xi32, #tpu.memory_space<vmem>>) target_semaphore(%run_scoped3A : memref<!tpu.dma_semaphore, #tpu.memory_space<semaphore_mem>>)
        %dma_wait3A = tpu.memref_slice %arg3[%multiple_of3A] : memref<323584xi32, #tpu.memory_space<hbm>> -> memref<128xi32, #tpu.memory_space<hbm>>
        %dma_wait3A_31 = tpu.memref_slice %arg3[%multiple_of3A] : memref<323584xi32, #tpu.memory_space<hbm>> -> memref<128xi32, #tpu.memory_space<hbm>>
        tpu.wait_dma2 semaphore(%run_scoped3A : memref<!tpu.dma_semaphore, #tpu.memory_space<semaphore_mem>>) src(%dma_wait3A_31 : memref<128xi32, #tpu.memory_space<hbm>>) dst(%arg6 : memref<128xi32, #tpu.memory_space<vmem>>)
        tpu.yield
      }) : () -> ()
      "tpu.region"() ({
        %run_scoped3A = tpu.sem_alloc : memref<!tpu.dma_semaphore, #tpu.memory_space<semaphore_mem>>
        %dma_start3A = arith.constant 0 : i32
        %dma_start3A_30 = tpu.memref_slice %arg2[%multiple_of3A, %dma_start3A] : memref<323584x128xf32, #tpu.memory_space<hbm>> -> memref<128x128xf32, #tpu.memory_space<hbm>>
        %dma_start3A_31 = arith.constant 0 : i32
        %dma_start3A_32 = tpu.memref_slice %arg2[%multiple_of3A, %dma_start3A_31] : memref<323584x128xf32, #tpu.memory_space<hbm>> -> memref<128x128xf32, #tpu.memory_space<hbm>>
        tpu.enqueue_dma source(%dma_start3A_32 : memref<128x128xf32, #tpu.memory_space<hbm>>) target(%arg7 : memref<128x128xf32, #tpu.memory_space<vmem>>) target_semaphore(%run_scoped3A : memref<!tpu.dma_semaphore, #tpu.memory_space<semaphore_mem>>)
        %dma_wait3A = arith.constant 0 : i32
        %dma_wait3A_33 = tpu.memref_slice %arg2[%multiple_of3A, %dma_wait3A] : memref<323584x128xf32, #tpu.memory_space<hbm>> -> memref<128x128xf32, #tpu.memory_space<hbm>>
        %dma_wait3A_34 = arith.constant 0 : i32
        %dma_wait3A_35 = tpu.memref_slice %arg2[%multiple_of3A, %dma_wait3A_34] : memref<323584x128xf32, #tpu.memory_space<hbm>> -> memref<128x128xf32, #tpu.memory_space<hbm>>
        tpu.wait_dma2 semaphore(%run_scoped3A : memref<!tpu.dma_semaphore, #tpu.memory_space<semaphore_mem>>) src(%dma_wait3A_35 : memref<128x128xf32, #tpu.memory_space<hbm>>) dst(%arg7 : memref<128x128xf32, #tpu.memory_space<vmem>>)
        tpu.yield
      }) : () -> ()
      "tpu.region"() ({
        %run_scoped3A = tpu.sem_alloc : memref<!tpu.dma_semaphore, #tpu.memory_space<semaphore_mem>>
        %dma_start3A = arith.constant 0 : i32
        %dma_start3A_30 = arith.constant 0 : i32
        %dma_start3A_31 = tpu.memref_slice %arg8[%dma_start3A, %dma_start3A_30] : memref<10240x128xf32, #tpu.memory_space<vmem_shared>> -> memref<10240x128xf32, #tpu.memory_space<vmem_shared>>
        tpu.enqueue_indirect_dma source(%arg7 : memref<128x128xf32, #tpu.memory_space<vmem>>) target(%dma_start3A_31 : memref<10240x128xf32, #tpu.memory_space<vmem_shared>>) offsets(%arg6 : memref<128xi32, #tpu.memory_space<vmem>>) semaphore(%run_scoped3A : memref<!tpu.dma_semaphore, #tpu.memory_space<semaphore_mem>>) {add = true}
        %dma_wait3A = arith.constant 0 : i32
        %dma_wait3A_32 = arith.constant 0 : i32
        %dma_wait3A_33 = tpu.memref_slice %arg8[%dma_wait3A, %dma_wait3A_32] : memref<10240x128xf32, #tpu.memory_space<vmem_shared>> -> memref<10240x128xf32, #tpu.memory_space<vmem_shared>>
        tpu.wait_indirect_dma semaphore(%run_scoped3A : memref<!tpu.dma_semaphore, #tpu.memory_space<semaphore_mem>>) src(%arg7 : memref<128x128xf32, #tpu.memory_space<vmem>>) dst(%dma_wait3A_33 : memref<10240x128xf32, #tpu.memory_space<vmem_shared>>)
        tpu.yield
      }) : () -> ()
      %scan3A_29 = arith.constant 0 : i32
      scf.yield %scan3A_29 : i32
    }
    %scan3A_15 = arith.constant 79 : i32
    %barrier3A_16 = arith.constant 0 : index
    tpu.barrier barrier_id(%barrier3A_16)
    %scan3A_17 = arith.constant 0 : i32
    %scan3A_18 = arith.constant 0 : i32
    %scan3A_19 = arith.constant 5 : i32
    %scan3A_20 = arith.addi %scan3A_18, %scan3A_19 : i32
    %scan3A_21 = arith.constant 1 : i32
    %scan3A_22 = scf.for %scan3A_24 = %scan3A_18 to %scan3A_20 step %scan3A_21 iter_args(%scan3A_25 = %scan3A_17) -> (i32)  : i32 {
      %mul3A_26 = arith.constant 640 : i32
      %mul3A_27 = arith.muli %arg1, %mul3A_26 : i32
      %mul3A_28 = arith.constant 128 : i32
      %mul3A_29 = arith.muli %scan3A_24, %mul3A_28 : i32
      %add3A_30 = arith.addi %mul3A_27, %mul3A_29 : i32
      %multiple_of3A = tpu.assume_multiple %add3A_30, 128 : i32
      "tpu.region"() ({
        %run_scoped3A = tpu.sem_alloc : memref<!tpu.dma_semaphore, #tpu.memory_space<semaphore_mem>>
        %dma_start3A = arith.constant 0 : i32
        %dma_start3A_32 = tpu.memref_slice %arg5[%arg0, %multiple_of3A, %dma_start3A] : memref<2x10240x128xf32, #tpu.memory_space<hbm>> -> memref<1x128x128xf32, #tpu.memory_space<hbm>>
        %dma_start3A_33 = tpu.memref_squeeze %dma_start3A_32 : memref<1x128x128xf32, #tpu.memory_space<hbm>> -> memref<128x128xf32, #tpu.memory_space<hbm>>
        %dma_start3A_34 = arith.constant 0 : i32
        %dma_start3A_35 = tpu.memref_slice %arg8[%multiple_of3A, %dma_start3A_34] : memref<10240x128xf32, #tpu.memory_space<vmem_shared>> -> memref<128x128xf32, #tpu.memory_space<vmem_shared>>
        tpu.enqueue_dma source(%dma_start3A_35 : memref<128x128xf32, #tpu.memory_space<vmem_shared>>) target(%dma_start3A_33 : memref<128x128xf32, #tpu.memory_space<hbm>>) target_semaphore(%run_scoped3A : memref<!tpu.dma_semaphore, #tpu.memory_space<semaphore_mem>>)
        %dma_wait3A = arith.constant 0 : i32
        %dma_wait3A_36 = tpu.memref_slice %arg5[%arg0, %multiple_of3A, %dma_wait3A] : memref<2x10240x128xf32, #tpu.memory_space<hbm>> -> memref<1x128x128xf32, #tpu.memory_space<hbm>>
        %dma_wait3A_37 = tpu.memref_squeeze %dma_wait3A_36 : memref<1x128x128xf32, #tpu.memory_space<hbm>> -> memref<128x128xf32, #tpu.memory_space<hbm>>
        %dma_wait3A_38 = arith.constant 0 : i32
        %dma_wait3A_39 = tpu.memref_slice %arg8[%multiple_of3A, %dma_wait3A_38] : memref<10240x128xf32, #tpu.memory_space<vmem_shared>> -> memref<128x128xf32, #tpu.memory_space<vmem_shared>>
        tpu.wait_dma2 semaphore(%run_scoped3A : memref<!tpu.dma_semaphore, #tpu.memory_space<semaphore_mem>>) src(%dma_wait3A_39 : memref<128x128xf32, #tpu.memory_space<vmem_shared>>) dst(%dma_wait3A_37 : memref<128x128xf32, #tpu.memory_space<hbm>>)
        tpu.yield
      }) : () -> ()
      %scan3A_31 = arith.constant 0 : i32
      scf.yield %scan3A_31 : i32
    }
    %scan3A_23 = arith.constant 5 : i32
    return
  }
}

#map = affine_map<(d0, d1) -> (0, 0)>
#map1 = affine_map<(d0, d1) -> (0)>
#map2 = affine_map<(d0, d1) -> (0, 0, 0)>
module attributes {stable_mosaic.version = 14 : i64} {
  func.func @_sc_scatter(%arg0: i32, %arg1: i32, %arg2: memref<323584x128xf32, #tpu.memory_space<hbm>>, %arg3: memref<323584xi32, #tpu.memory_space<hbm>>, %arg4: memref<10240x128xf32, #tpu.memory_space<hbm>>, %arg5: memref<2x10240x128xf32, #tpu.memory_space<hbm>>, %arg6: memref<128xi32, #tpu.memory_space<vmem>>, %arg7: memref<128x128xf32, #tpu.memory_space<vmem>>, %arg8: memref<10240x128xf32, #tpu.memory_space<vmem_shared>>) attributes {dimension_semantics = [#tpu.dimension_semantics<core_parallel>, #tpu.dimension_semantics<subcore_parallel>], iteration_bounds = array<i64: 2, 16>, scalar_prefetch = 0 : i64, scratch_operands = 3 : i64, tpu.core_type = #tpu.core_type<sc_vector_subcore>, window_params = [{transform_indices = #map}, {transform_indices = #map1}, {transform_indices = #map}, {transform_indices = #map2}]} {
    %scan3A = arith.constant 0 : i32
    %scan3A_0 = arith.constant 0 : i32
    %scan3A_1 = arith.constant 5 : i32
    %scan3A_2 = arith.addi %scan3A_0, %scan3A_1 : i32
    %scan3A_3 = arith.constant 1 : i32
    %scan3A_4 = scf.for %scan3A_24 = %scan3A_0 to %scan3A_2 step %scan3A_3 iter_args(%scan3A_25 = %scan3A) -> (i32)  : i32 {
      %mul3A_26 = arith.constant 640 : i32
      %mul3A_27 = arith.muli %arg1, %mul3A_26 : i32
      %mul3A_28 = arith.constant 128 : i32
      %mul3A_29 = arith.muli %scan3A_24, %mul3A_28 : i32
      %add3A_30 = arith.addi %mul3A_27, %mul3A_29 : i32
      %multiple_of3A = tpu.assume_multiple %add3A_30, 128 : i32
      "tpu.region"() ({
        %run_scoped3A = tpu.sem_alloc : memref<!tpu.dma_semaphore, #tpu.memory_space<semaphore_mem>>
        %dma_start3A = arith.constant 0 : i32
        %dma_start3A_32 = tpu.memref_slice %arg8[%multiple_of3A, %dma_start3A] : memref<10240x128xf32, #tpu.memory_space<vmem_shared>> -> memref<128x128xf32, #tpu.memory_space<vmem_shared>>
        %dma_start3A_33 = arith.constant 0 : i32
        %dma_start3A_34 = tpu.memref_slice %arg4[%multiple_of3A, %dma_start3A_33] : memref<10240x128xf32, #tpu.memory_space<hbm>> -> memref<128x128xf32, #tpu.memory_space<hbm>>
        tpu.enqueue_dma source(%dma_start3A_34 : memref<128x128xf32, #tpu.memory_space<hbm>>) target(%dma_start3A_32 : memref<128x128xf32, #tpu.memory_space<vmem_shared>>) target_semaphore(%run_scoped3A : memref<!tpu.dma_semaphore, #tpu.memory_space<semaphore_mem>>)
        %dma_wait3A = arith.constant 0 : i32
        %dma_wait3A_35 = tpu.memref_slice %arg8[%multiple_of3A, %dma_wait3A] : memref<10240x128xf32, #tpu.memory_space<vmem_shared>> -> memref<128x128xf32, #tpu.memory_space<vmem_shared>>
        %dma_wait3A_36 = arith.constant 0 : i32
        %dma_wait3A_37 = tpu.memref_slice %arg4[%multiple_of3A, %dma_wait3A_36] : memref<10240x128xf32, #tpu.memory_space<hbm>> -> memref<128x128xf32, #tpu.memory_space<hbm>>
        tpu.wait_dma2 semaphore(%run_scoped3A : memref<!tpu.dma_semaphore, #tpu.memory_space<semaphore_mem>>) src(%dma_wait3A_37 : memref<128x128xf32, #tpu.memory_space<hbm>>) dst(%dma_wait3A_35 : memref<128x128xf32, #tpu.memory_space<vmem_shared>>)
        tpu.yield
      }) : () -> ()
      %scan3A_31 = arith.constant 0 : i32
      scf.yield %scan3A_31 : i32
    }
    %scan3A_5 = arith.constant 5 : i32
    %barrier3A = arith.constant 0 : index
    tpu.barrier barrier_id(%barrier3A)
    %mul3A = arith.constant 16 : i32
    %mul3A_6 = arith.muli %arg0, %mul3A : i32
    %add3A = arith.addi %mul3A_6, %arg1 : i32
    %mul3A_7 = arith.constant 79 : i32
    %mul3A_8 = arith.muli %add3A, %mul3A_7 : i32
    %scan3A_9 = arith.constant 0 : i32
    %scan3A_10 = arith.constant 0 : i32
    %scan3A_11 = arith.constant 79 : i32
    %scan3A_12 = arith.addi %scan3A_10, %scan3A_11 : i32
    %scan3A_13 = arith.constant 1 : i32
    %scan3A_14 = scf.for %scan3A_24 = %scan3A_10 to %scan3A_12 step %scan3A_13 iter_args(%scan3A_25 = %scan3A_9) -> (i32)  : i32 {
      %add3A_26 = arith.addi %mul3A_8, %scan3A_24 : i32
      %mul3A_27 = arith.constant 128 : i32
      %mul3A_28 = arith.muli %add3A_26, %mul3A_27 : i32
      %multiple_of3A = tpu.assume_multiple %mul3A_28, 128 : i32
      "tpu.region"() ({
        %run_scoped3A = tpu.sem_alloc : memref<!tpu.dma_semaphore, #tpu.memory_space<semaphore_mem>>
        %dma_start3A = tpu.memref_slice %arg3[%multiple_of3A] : memref<323584xi32, #tpu.memory_space<hbm>> -> memref<128xi32, #tpu.memory_space<hbm>>
        %dma_start3A_30 = tpu.memref_slice %arg3[%multiple_of3A] : memref<323584xi32, #tpu.memory_space<hbm>> -> memref<128xi32, #tpu.memory_space<hbm>>
        tpu.enqueue_dma source(%dma_start3A_30 : memref<128xi32, #tpu.memory_space<hbm>>) target(%arg6 : memref<128xi32, #tpu.memory_space<vmem>>) target_semaphore(%run_scoped3A : memref<!tpu.dma_semaphore, #tpu.memory_space<semaphore_mem>>)
        %dma_wait3A = tpu.memref_slice %arg3[%multiple_of3A] : memref<323584xi32, #tpu.memory_space<hbm>> -> memref<128xi32, #tpu.memory_space<hbm>>
        %dma_wait3A_31 = tpu.memref_slice %arg3[%multiple_of3A] : memref<323584xi32, #tpu.memory_space<hbm>> -> memref<128xi32, #tpu.memory_space<hbm>>
        tpu.wait_dma2 semaphore(%run_scoped3A : memref<!tpu.dma_semaphore, #tpu.memory_space<semaphore_mem>>) src(%dma_wait3A_31 : memref<128xi32, #tpu.memory_space<hbm>>) dst(%arg6 : memref<128xi32, #tpu.memory_space<vmem>>)
        tpu.yield
      }) : () -> ()
      "tpu.region"() ({
        %run_scoped3A = tpu.sem_alloc : memref<!tpu.dma_semaphore, #tpu.memory_space<semaphore_mem>>
        %dma_start3A = arith.constant 0 : i32
        %dma_start3A_30 = tpu.memref_slice %arg2[%multiple_of3A, %dma_start3A] : memref<323584x128xf32, #tpu.memory_space<hbm>> -> memref<128x128xf32, #tpu.memory_space<hbm>>
        %dma_start3A_31 = arith.constant 0 : i32
        %dma_start3A_32 = tpu.memref_slice %arg2[%multiple_of3A, %dma_start3A_31] : memref<323584x128xf32, #tpu.memory_space<hbm>> -> memref<128x128xf32, #tpu.memory_space<hbm>>
        tpu.enqueue_dma source(%dma_start3A_32 : memref<128x128xf32, #tpu.memory_space<hbm>>) target(%arg7 : memref<128x128xf32, #tpu.memory_space<vmem>>) target_semaphore(%run_scoped3A : memref<!tpu.dma_semaphore, #tpu.memory_space<semaphore_mem>>)
        %dma_wait3A = arith.constant 0 : i32
        %dma_wait3A_33 = tpu.memref_slice %arg2[%multiple_of3A, %dma_wait3A] : memref<323584x128xf32, #tpu.memory_space<hbm>> -> memref<128x128xf32, #tpu.memory_space<hbm>>
        %dma_wait3A_34 = arith.constant 0 : i32
        %dma_wait3A_35 = tpu.memref_slice %arg2[%multiple_of3A, %dma_wait3A_34] : memref<323584x128xf32, #tpu.memory_space<hbm>> -> memref<128x128xf32, #tpu.memory_space<hbm>>
        tpu.wait_dma2 semaphore(%run_scoped3A : memref<!tpu.dma_semaphore, #tpu.memory_space<semaphore_mem>>) src(%dma_wait3A_35 : memref<128x128xf32, #tpu.memory_space<hbm>>) dst(%arg7 : memref<128x128xf32, #tpu.memory_space<vmem>>)
        tpu.yield
      }) : () -> ()
      "tpu.region"() ({
        %run_scoped3A = tpu.sem_alloc : memref<!tpu.dma_semaphore, #tpu.memory_space<semaphore_mem>>
        %dma_start3A = arith.constant 0 : i32
        %dma_start3A_30 = arith.constant 0 : i32
        %dma_start3A_31 = tpu.memref_slice %arg8[%dma_start3A, %dma_start3A_30] : memref<10240x128xf32, #tpu.memory_space<vmem_shared>> -> memref<10240x128xf32, #tpu.memory_space<vmem_shared>>
        tpu.enqueue_indirect_dma source(%arg7 : memref<128x128xf32, #tpu.memory_space<vmem>>) target(%dma_start3A_31 : memref<10240x128xf32, #tpu.memory_space<vmem_shared>>) offsets(%arg6 : memref<128xi32, #tpu.memory_space<vmem>>) semaphore(%run_scoped3A : memref<!tpu.dma_semaphore, #tpu.memory_space<semaphore_mem>>) {add = true}
        %dma_wait3A = arith.constant 0 : i32
        %dma_wait3A_32 = arith.constant 0 : i32
        %dma_wait3A_33 = tpu.memref_slice %arg8[%dma_wait3A, %dma_wait3A_32] : memref<10240x128xf32, #tpu.memory_space<vmem_shared>> -> memref<10240x128xf32, #tpu.memory_space<vmem_shared>>
        tpu.wait_indirect_dma semaphore(%run_scoped3A : memref<!tpu.dma_semaphore, #tpu.memory_space<semaphore_mem>>) src(%arg7 : memref<128x128xf32, #tpu.memory_space<vmem>>) dst(%dma_wait3A_33 : memref<10240x128xf32, #tpu.memory_space<vmem_shared>>)
        tpu.yield
      }) : () -> ()
      %scan3A_29 = arith.constant 0 : i32
      scf.yield %scan3A_29 : i32
    }
    %scan3A_15 = arith.constant 79 : i32
    %barrier3A_16 = arith.constant 0 : index
    tpu.barrier barrier_id(%barrier3A_16)
    %scan3A_17 = arith.constant 0 : i32
    %scan3A_18 = arith.constant 0 : i32
    %scan3A_19 = arith.constant 5 : i32
    %scan3A_20 = arith.addi %scan3A_18, %scan3A_19 : i32
    %scan3A_21 = arith.constant 1 : i32
    %scan3A_22 = scf.for %scan3A_24 = %scan3A_18 to %scan3A_20 step %scan3A_21 iter_args(%scan3A_25 = %scan3A_17) -> (i32)  : i32 {
      %mul3A_26 = arith.constant 640 : i32
      %mul3A_27 = arith.muli %arg1, %mul3A_26 : i32
      %mul3A_28 = arith.constant 128 : i32
      %mul3A_29 = arith.muli %scan3A_24, %mul3A_28 : i32
      %add3A_30 = arith.addi %mul3A_27, %mul3A_29 : i32
      %multiple_of3A = tpu.assume_multiple %add3A_30, 128 : i32
      "tpu.region"() ({
        %run_scoped3A = tpu.sem_alloc : memref<!tpu.dma_semaphore, #tpu.memory_space<semaphore_mem>>
        %dma_start3A = arith.constant 0 : i32
        %dma_start3A_32 = tpu.memref_slice %arg5[%arg0, %multiple_of3A, %dma_start3A] : memref<2x10240x128xf32, #tpu.memory_space<hbm>> -> memref<1x128x128xf32, #tpu.memory_space<hbm>>
        %dma_start3A_33 = tpu.memref_squeeze %dma_start3A_32 : memref<1x128x128xf32, #tpu.memory_space<hbm>> -> memref<128x128xf32, #tpu.memory_space<hbm>>
        %dma_start3A_34 = arith.constant 0 : i32
        %dma_start3A_35 = tpu.memref_slice %arg8[%multiple_of3A, %dma_start3A_34] : memref<10240x128xf32, #tpu.memory_space<vmem_shared>> -> memref<128x128xf32, #tpu.memory_space<vmem_shared>>
        tpu.enqueue_dma source(%dma_start3A_35 : memref<128x128xf32, #tpu.memory_space<vmem_shared>>) target(%dma_start3A_33 : memref<128x128xf32, #tpu.memory_space<hbm>>) target_semaphore(%run_scoped3A : memref<!tpu.dma_semaphore, #tpu.memory_space<semaphore_mem>>)
        %dma_wait3A = arith.constant 0 : i32
        %dma_wait3A_36 = tpu.memref_slice %arg5[%arg0, %multiple_of3A, %dma_wait3A] : memref<2x10240x128xf32, #tpu.memory_space<hbm>> -> memref<1x128x128xf32, #tpu.memory_space<hbm>>
        %dma_wait3A_37 = tpu.memref_squeeze %dma_wait3A_36 : memref<1x128x128xf32, #tpu.memory_space<hbm>> -> memref<128x128xf32, #tpu.memory_space<hbm>>
        %dma_wait3A_38 = arith.constant 0 : i32
        %dma_wait3A_39 = tpu.memref_slice %arg8[%multiple_of3A, %dma_wait3A_38] : memref<10240x128xf32, #tpu.memory_space<vmem_shared>> -> memref<128x128xf32, #tpu.memory_space<vmem_shared>>
        tpu.wait_dma2 semaphore(%run_scoped3A : memref<!tpu.dma_semaphore, #tpu.memory_space<semaphore_mem>>) src(%dma_wait3A_39 : memref<128x128xf32, #tpu.memory_space<vmem_shared>>) dst(%dma_wait3A_37 : memref<128x128xf32, #tpu.memory_space<hbm>>)
        tpu.yield
      }) : () -> ()
      %scan3A_31 = arith.constant 0 : i32
      scf.yield %scan3A_31 : i32
    }
    %scan3A_23 = arith.constant 5 : i32
    return
  }
}

module attributes {stable_mosaic.version = 14 : i64} {
  func.func @_mm_body(%arg0: i32, %arg1: memref<2048x2xf32, #tpu.memory_space<vmem>>, %arg2: memref<2048x128xf32, #tpu.memory_space<vmem>>, %arg3: memref<9x128x128xf32, #tpu.memory_space<vmem>>, %arg4: memref<2048x128xf32, #tpu.memory_space<vmem>>) attributes {dimension_semantics = [#tpu.dimension_semantics<arbitrary>], iteration_bounds = array<i64: 158>, scalar_prefetch = 0 : i64, scratch_operands = 0 : i64, tpu.core_type = #tpu.core_type<tc>, window_params = [{transform_indices = @transform_0, window_bounds = array<i64: 2048, 2>}, {transform_indices = @transform_1, window_bounds = array<i64: 2048, 128>}, {pipeline_mode = #tpu.pipeline_mode<synchronous>, transform_indices = @transform_2, window_bounds = array<i64: 9, 128, 128>}, {transform_indices = @transform_3, window_bounds = array<i64: 2048, 128>}]} {
    %get3A = arith.constant 0 : index
    %get3A_0 = arith.constant 0 : index
    %get3A_1 = vector.load %arg1[%get3A, %get3A_0] : memref<2048x2xf32, #tpu.memory_space<vmem>>, vector<2048x1xf32>
    %get3A_2 = arith.constant 0 : index
    %get3A_3 = arith.constant 1 : index
    %get3A_4 = vector.load %arg1[%get3A_2, %get3A_3] : memref<2048x2xf32, #tpu.memory_space<vmem>>, vector<2048x1xf32>
    %sub3A = arith.constant 1.000000e+00 : f32
    %sub3A_5 = vector.broadcast %sub3A : f32 to vector<2048x1xf32>
    %sub3A_6 = arith.subf %sub3A_5, %get3A_1 : vector<2048x1xf32>
    %integer_pow3A = arith.mulf %sub3A_6, %sub3A_6 : vector<2048x1xf32>
    %mul3A = arith.constant 5.000000e-01 : f32
    %mul3A_7 = vector.broadcast %mul3A : f32 to vector<2048x1xf32>
    %mul3A_8 = arith.mulf %mul3A_7, %integer_pow3A : vector<2048x1xf32>
    %neg3A = arith.constant 0.000000e+00 : f32
    %neg3A_9 = vector.broadcast %neg3A : f32 to vector<2048x1xf32>
    %neg3A_10 = arith.subf %neg3A_9, %get3A_1 : vector<2048x1xf32>
    %mul3A_11 = arith.mulf %neg3A_10, %get3A_1 : vector<2048x1xf32>
    %add3A = arith.addf %mul3A_11, %get3A_1 : vector<2048x1xf32>
    %add3A_12 = arith.constant 5.000000e-01 : f32
    %add3A_13 = vector.broadcast %add3A_12 : f32 to vector<2048x1xf32>
    %add3A_14 = arith.addf %add3A, %add3A_13 : vector<2048x1xf32>
    %mul3A_15 = arith.constant 5.000000e-01 : f32
    %mul3A_16 = vector.broadcast %mul3A_15 : f32 to vector<2048x1xf32>
    %mul3A_17 = arith.mulf %mul3A_16, %get3A_1 : vector<2048x1xf32>
    %mul3A_18 = arith.mulf %mul3A_17, %get3A_1 : vector<2048x1xf32>
    %sub3A_19 = arith.constant 1.000000e+00 : f32
    %sub3A_20 = vector.broadcast %sub3A_19 : f32 to vector<2048x1xf32>
    %sub3A_21 = arith.subf %sub3A_20, %get3A_4 : vector<2048x1xf32>
    %integer_pow3A_22 = arith.mulf %sub3A_21, %sub3A_21 : vector<2048x1xf32>
    %mul3A_23 = arith.constant 5.000000e-01 : f32
    %mul3A_24 = vector.broadcast %mul3A_23 : f32 to vector<2048x1xf32>
    %mul3A_25 = arith.mulf %mul3A_24, %integer_pow3A_22 : vector<2048x1xf32>
    %neg3A_26 = arith.constant 0.000000e+00 : f32
    %neg3A_27 = vector.broadcast %neg3A_26 : f32 to vector<2048x1xf32>
    %neg3A_28 = arith.subf %neg3A_27, %get3A_4 : vector<2048x1xf32>
    %mul3A_29 = arith.mulf %neg3A_28, %get3A_4 : vector<2048x1xf32>
    %add3A_30 = arith.addf %mul3A_29, %get3A_4 : vector<2048x1xf32>
    %add3A_31 = arith.constant 5.000000e-01 : f32
    %add3A_32 = vector.broadcast %add3A_31 : f32 to vector<2048x1xf32>
    %add3A_33 = arith.addf %add3A_30, %add3A_32 : vector<2048x1xf32>
    %mul3A_34 = arith.constant 5.000000e-01 : f32
    %mul3A_35 = vector.broadcast %mul3A_34 : f32 to vector<2048x1xf32>
    %mul3A_36 = arith.mulf %mul3A_35, %get3A_4 : vector<2048x1xf32>
    %mul3A_37 = arith.mulf %mul3A_36, %get3A_4 : vector<2048x1xf32>
    %get3A_38 = arith.constant 0 : index
    %get3A_39 = arith.constant 0 : index
    %get3A_40 = vector.load %arg2[%get3A_38, %get3A_39] : memref<2048x128xf32, #tpu.memory_space<vmem>>, vector<2048x128xf32>
    %broadcast_in_dim3A = arith.constant 0.000000e+00 : f32
    %broadcast_in_dim3A_41 = vector.broadcast %broadcast_in_dim3A : f32 to vector<2048x128xf32>
    %get3A_42 = arith.constant 0 : index
    %get3A_43 = arith.constant 0 : index
    %get3A_44 = arith.constant 0 : index
    %get3A_45 = vector.load %arg3[%get3A_42, %get3A_43, %get3A_44] : memref<9x128x128xf32, #tpu.memory_space<vmem>>, vector<1x128x128xf32>
    %get3A_46 = vector.shape_cast %get3A_45 : vector<1x128x128xf32> to vector<128x128xf32>
    %dot_general3A = arith.constant dense<0.000000e+00> : vector<2048x128xf32>
    %dot_general3A_47 = tpu.matmul %get3A_40, %get3A_46, %dot_general3A {dimension_numbers = #tpu.dot_dimension_numbers<[1], [0], [0], [1], [0, 0, 1, 1], [], []>, transpose_lhs_hint = false} : vector<2048x128xf32>, vector<128x128xf32>, vector<2048x128xf32> -> vector<2048x128xf32>
    %mul3A_48 = arith.mulf %mul3A_8, %mul3A_25 : vector<2048x1xf32>
    %mul3A_49 = vector.broadcast %mul3A_48 : vector<2048x1xf32> to vector<2048x128xf32>
    %mul3A_50 = arith.mulf %mul3A_49, %dot_general3A_47 : vector<2048x128xf32>
    %add3A_51 = arith.addf %broadcast_in_dim3A_41, %mul3A_50 : vector<2048x128xf32>
    %get3A_52 = arith.constant 1 : index
    %get3A_53 = arith.constant 0 : index
    %get3A_54 = arith.constant 0 : index
    %get3A_55 = vector.load %arg3[%get3A_52, %get3A_53, %get3A_54] : memref<9x128x128xf32, #tpu.memory_space<vmem>>, vector<1x128x128xf32>
    %get3A_56 = vector.shape_cast %get3A_55 : vector<1x128x128xf32> to vector<128x128xf32>
    %dot_general3A_57 = arith.constant dense<0.000000e+00> : vector<2048x128xf32>
    %dot_general3A_58 = tpu.matmul %get3A_40, %get3A_56, %dot_general3A_57 {dimension_numbers = #tpu.dot_dimension_numbers<[1], [0], [0], [1], [0, 0, 1, 1], [], []>, transpose_lhs_hint = false} : vector<2048x128xf32>, vector<128x128xf32>, vector<2048x128xf32> -> vector<2048x128xf32>
    %mul3A_59 = arith.mulf %mul3A_8, %add3A_33 : vector<2048x1xf32>
    %mul3A_60 = vector.broadcast %mul3A_59 : vector<2048x1xf32> to vector<2048x128xf32>
    %mul3A_61 = arith.mulf %mul3A_60, %dot_general3A_58 : vector<2048x128xf32>
    %add3A_62 = arith.addf %add3A_51, %mul3A_61 : vector<2048x128xf32>
    %get3A_63 = arith.constant 2 : index
    %get3A_64 = arith.constant 0 : index
    %get3A_65 = arith.constant 0 : index
    %get3A_66 = vector.load %arg3[%get3A_63, %get3A_64, %get3A_65] : memref<9x128x128xf32, #tpu.memory_space<vmem>>, vector<1x128x128xf32>
    %get3A_67 = vector.shape_cast %get3A_66 : vector<1x128x128xf32> to vector<128x128xf32>
    %dot_general3A_68 = arith.constant dense<0.000000e+00> : vector<2048x128xf32>
    %dot_general3A_69 = tpu.matmul %get3A_40, %get3A_67, %dot_general3A_68 {dimension_numbers = #tpu.dot_dimension_numbers<[1], [0], [0], [1], [0, 0, 1, 1], [], []>, transpose_lhs_hint = false} : vector<2048x128xf32>, vector<128x128xf32>, vector<2048x128xf32> -> vector<2048x128xf32>
    %mul3A_70 = arith.mulf %mul3A_8, %mul3A_37 : vector<2048x1xf32>
    %mul3A_71 = vector.broadcast %mul3A_70 : vector<2048x1xf32> to vector<2048x128xf32>
    %mul3A_72 = arith.mulf %mul3A_71, %dot_general3A_69 : vector<2048x128xf32>
    %add3A_73 = arith.addf %add3A_62, %mul3A_72 : vector<2048x128xf32>
    %get3A_74 = arith.constant 3 : index
    %get3A_75 = arith.constant 0 : index
    %get3A_76 = arith.constant 0 : index
    %get3A_77 = vector.load %arg3[%get3A_74, %get3A_75, %get3A_76] : memref<9x128x128xf32, #tpu.memory_space<vmem>>, vector<1x128x128xf32>
    %get3A_78 = vector.shape_cast %get3A_77 : vector<1x128x128xf32> to vector<128x128xf32>
    %dot_general3A_79 = arith.constant dense<0.000000e+00> : vector<2048x128xf32>
    %dot_general3A_80 = tpu.matmul %get3A_40, %get3A_78, %dot_general3A_79 {dimension_numbers = #tpu.dot_dimension_numbers<[1], [0], [0], [1], [0, 0, 1, 1], [], []>, transpose_lhs_hint = false} : vector<2048x128xf32>, vector<128x128xf32>, vector<2048x128xf32> -> vector<2048x128xf32>
    %mul3A_81 = arith.mulf %add3A_14, %mul3A_25 : vector<2048x1xf32>
    %mul3A_82 = vector.broadcast %mul3A_81 : vector<2048x1xf32> to vector<2048x128xf32>
    %mul3A_83 = arith.mulf %mul3A_82, %dot_general3A_80 : vector<2048x128xf32>
    %add3A_84 = arith.addf %add3A_73, %mul3A_83 : vector<2048x128xf32>
    %get3A_85 = arith.constant 4 : index
    %get3A_86 = arith.constant 0 : index
    %get3A_87 = arith.constant 0 : index
    %get3A_88 = vector.load %arg3[%get3A_85, %get3A_86, %get3A_87] : memref<9x128x128xf32, #tpu.memory_space<vmem>>, vector<1x128x128xf32>
    %get3A_89 = vector.shape_cast %get3A_88 : vector<1x128x128xf32> to vector<128x128xf32>
    %dot_general3A_90 = arith.constant dense<0.000000e+00> : vector<2048x128xf32>
    %dot_general3A_91 = tpu.matmul %get3A_40, %get3A_89, %dot_general3A_90 {dimension_numbers = #tpu.dot_dimension_numbers<[1], [0], [0], [1], [0, 0, 1, 1], [], []>, transpose_lhs_hint = false} : vector<2048x128xf32>, vector<128x128xf32>, vector<2048x128xf32> -> vector<2048x128xf32>
    %mul3A_92 = arith.mulf %add3A_14, %add3A_33 : vector<2048x1xf32>
    %mul3A_93 = vector.broadcast %mul3A_92 : vector<2048x1xf32> to vector<2048x128xf32>
    %mul3A_94 = arith.mulf %mul3A_93, %dot_general3A_91 : vector<2048x128xf32>
    %add3A_95 = arith.addf %add3A_84, %mul3A_94 : vector<2048x128xf32>
    %get3A_96 = arith.constant 5 : index
    %get3A_97 = arith.constant 0 : index
    %get3A_98 = arith.constant 0 : index
    %get3A_99 = vector.load %arg3[%get3A_96, %get3A_97, %get3A_98] : memref<9x128x128xf32, #tpu.memory_space<vmem>>, vector<1x128x128xf32>
    %get3A_100 = vector.shape_cast %get3A_99 : vector<1x128x128xf32> to vector<128x128xf32>
    %dot_general3A_101 = arith.constant dense<0.000000e+00> : vector<2048x128xf32>
    %dot_general3A_102 = tpu.matmul %get3A_40, %get3A_100, %dot_general3A_101 {dimension_numbers = #tpu.dot_dimension_numbers<[1], [0], [0], [1], [0, 0, 1, 1], [], []>, transpose_lhs_hint = false} : vector<2048x128xf32>, vector<128x128xf32>, vector<2048x128xf32> -> vector<2048x128xf32>
    %mul3A_103 = arith.mulf %add3A_14, %mul3A_37 : vector<2048x1xf32>
    %mul3A_104 = vector.broadcast %mul3A_103 : vector<2048x1xf32> to vector<2048x128xf32>
    %mul3A_105 = arith.mulf %mul3A_104, %dot_general3A_102 : vector<2048x128xf32>
    %add3A_106 = arith.addf %add3A_95, %mul3A_105 : vector<2048x128xf32>
    %get3A_107 = arith.constant 6 : index
    %get3A_108 = arith.constant 0 : index
    %get3A_109 = arith.constant 0 : index
    %get3A_110 = vector.load %arg3[%get3A_107, %get3A_108, %get3A_109] : memref<9x128x128xf32, #tpu.memory_space<vmem>>, vector<1x128x128xf32>
    %get3A_111 = vector.shape_cast %get3A_110 : vector<1x128x128xf32> to vector<128x128xf32>
    %dot_general3A_112 = arith.constant dense<0.000000e+00> : vector<2048x128xf32>
    %dot_general3A_113 = tpu.matmul %get3A_40, %get3A_111, %dot_general3A_112 {dimension_numbers = #tpu.dot_dimension_numbers<[1], [0], [0], [1], [0, 0, 1, 1], [], []>, transpose_lhs_hint = false} : vector<2048x128xf32>, vector<128x128xf32>, vector<2048x128xf32> -> vector<2048x128xf32>
    %mul3A_114 = arith.mulf %mul3A_18, %mul3A_25 : vector<2048x1xf32>
    %mul3A_115 = vector.broadcast %mul3A_114 : vector<2048x1xf32> to vector<2048x128xf32>
    %mul3A_116 = arith.mulf %mul3A_115, %dot_general3A_113 : vector<2048x128xf32>
    %add3A_117 = arith.addf %add3A_106, %mul3A_116 : vector<2048x128xf32>
    %get3A_118 = arith.constant 7 : index
    %get3A_119 = arith.constant 0 : index
    %get3A_120 = arith.constant 0 : index
    %get3A_121 = vector.load %arg3[%get3A_118, %get3A_119, %get3A_120] : memref<9x128x128xf32, #tpu.memory_space<vmem>>, vector<1x128x128xf32>
    %get3A_122 = vector.shape_cast %get3A_121 : vector<1x128x128xf32> to vector<128x128xf32>
    %dot_general3A_123 = arith.constant dense<0.000000e+00> : vector<2048x128xf32>
    %dot_general3A_124 = tpu.matmul %get3A_40, %get3A_122, %dot_general3A_123 {dimension_numbers = #tpu.dot_dimension_numbers<[1], [0], [0], [1], [0, 0, 1, 1], [], []>, transpose_lhs_hint = false} : vector<2048x128xf32>, vector<128x128xf32>, vector<2048x128xf32> -> vector<2048x128xf32>
    %mul3A_125 = arith.mulf %mul3A_18, %add3A_33 : vector<2048x1xf32>
    %mul3A_126 = vector.broadcast %mul3A_125 : vector<2048x1xf32> to vector<2048x128xf32>
    %mul3A_127 = arith.mulf %mul3A_126, %dot_general3A_124 : vector<2048x128xf32>
    %add3A_128 = arith.addf %add3A_117, %mul3A_127 : vector<2048x128xf32>
    %get3A_129 = arith.constant 8 : index
    %get3A_130 = arith.constant 0 : index
    %get3A_131 = arith.constant 0 : index
    %get3A_132 = vector.load %arg3[%get3A_129, %get3A_130, %get3A_131] : memref<9x128x128xf32, #tpu.memory_space<vmem>>, vector<1x128x128xf32>
    %get3A_133 = vector.shape_cast %get3A_132 : vector<1x128x128xf32> to vector<128x128xf32>
    %dot_general3A_134 = arith.constant dense<0.000000e+00> : vector<2048x128xf32>
    %dot_general3A_135 = tpu.matmul %get3A_40, %get3A_133, %dot_general3A_134 {dimension_numbers = #tpu.dot_dimension_numbers<[1], [0], [0], [1], [0, 0, 1, 1], [], []>, transpose_lhs_hint = false} : vector<2048x128xf32>, vector<128x128xf32>, vector<2048x128xf32> -> vector<2048x128xf32>
    %mul3A_136 = arith.mulf %mul3A_18, %mul3A_37 : vector<2048x1xf32>
    %mul3A_137 = vector.broadcast %mul3A_136 : vector<2048x1xf32> to vector<2048x128xf32>
    %mul3A_138 = arith.mulf %mul3A_137, %dot_general3A_135 : vector<2048x128xf32>
    %add3A_139 = arith.addf %add3A_128, %mul3A_138 : vector<2048x128xf32>
    %mul3A_140 = arith.constant 2048 : i32
    %mul3A_141 = arith.muli %arg0, %mul3A_140 : i32
    %iota3A = tpu.iota {dimensions = array<i32: 0>} : vector<2048x1xi32>
    %add3A_142 = vector.broadcast %mul3A_141 : i32 to vector<2048x1xi32>
    %add3A_143 = arith.addi %add3A_142, %iota3A : vector<2048x1xi32>
    %lt3A = arith.constant 320000 : i32
    %lt3A_144 = vector.broadcast %lt3A : i32 to vector<2048x1xi32>
    %lt3A_145 = arith.cmpi slt, %add3A_143, %lt3A_144 : vector<2048x1xi32>
    %jit3A = arith.constant 0.000000e+00 : f32
    %broadcast_in_dim3A_146 = vector.shape_cast %lt3A_145 : vector<2048x1xi1> to vector<2048x1xi1>
    %broadcast_in_dim3A_147 = vector.broadcast %broadcast_in_dim3A_146 : vector<2048x1xi1> to vector<2048x128xi1>
    %broadcast_in_dim3A_148 = vector.broadcast %jit3A : f32 to vector<2048x128xf32>
    %select_n3A = arith.select %broadcast_in_dim3A_147, %add3A_139, %broadcast_in_dim3A_148 : vector<2048x128xi1>, vector<2048x128xf32>
    %swap3A = arith.constant 0 : index
    %swap3A_149 = arith.constant 0 : index
    %swap3A_150 = vector.load %arg4[%swap3A, %swap3A_149] : memref<2048x128xf32, #tpu.memory_space<vmem>>, vector<2048x128xf32>
    tpu.vector_store %arg4[%swap3A, %swap3A_149], %select_n3A {strides = array<i32>} : memref<2048x128xf32, #tpu.memory_space<vmem>>, vector<2048x128xf32>,
    return
  }
  func.func @transform_0(%arg0: i32) -> (i32, i32) {
    %c0_i32 = arith.constant 0 : i32
    %c0_i32_0 = arith.constant 0 : i32
    return %arg0, %c0_i32 : i32, i32
  }
  func.func @transform_1(%arg0: i32) -> (i32, i32) {
    %c0_i32 = arith.constant 0 : i32
    %c0_i32_0 = arith.constant 0 : i32
    return %arg0, %c0_i32 : i32, i32
  }
  func.func @transform_2(%arg0: i32) -> (i32, i32, i32) {
    %c0_i32 = arith.constant 0 : i32
    %c0_i32_0 = arith.constant 0 : i32
    %c0_i32_1 = arith.constant 0 : i32
    %c0_i32_2 = arith.constant 0 : i32
    return %c0_i32, %c0_i32_0, %c0_i32_1 : i32, i32, i32
  }
  func.func @transform_3(%arg0: i32) -> (i32, i32) {
    %c0_i32 = arith.constant 0 : i32
    %c0_i32_0 = arith.constant 0 : i32
    return %arg0, %c0_i32 : i32, i32
  }
}

module attributes {stable_mosaic.version = 14 : i64} {
  func.func @_finish_body(%arg0: i32, %arg1: memref<2x1000x128xf32, #tpu.memory_space<vmem>>, %arg2: memref<1000x128xf32, #tpu.memory_space<vmem>>, %arg3: memref<128x128xf32, #tpu.memory_space<vmem>>, %arg4: memref<1x128xf32, #tpu.memory_space<vmem>>, %arg5: memref<1000x128xf32, #tpu.memory_space<vmem>>) attributes {dimension_semantics = [#tpu.dimension_semantics<arbitrary>], iteration_bounds = array<i64: 10>, scalar_prefetch = 0 : i64, scratch_operands = 0 : i64, tpu.core_type = #tpu.core_type<tc>, window_params = [{transform_indices = @transform_0, window_bounds = array<i64: 2, 1000, 128>}, {transform_indices = @transform_1, window_bounds = array<i64: 1000, 128>}, {pipeline_mode = #tpu.pipeline_mode<synchronous>, transform_indices = @transform_2, window_bounds = array<i64: 128, 128>}, {pipeline_mode = #tpu.pipeline_mode<synchronous>, transform_indices = @transform_3, window_bounds = array<i64: 1, 128>}, {transform_indices = @transform_4, window_bounds = array<i64: 1000, 128>}]} {
    %get3A = arith.constant 0 : index
    %get3A_0 = arith.constant 0 : index
    %get3A_1 = vector.load %arg2[%get3A, %get3A_0] : memref<1000x128xf32, #tpu.memory_space<vmem>>, vector<1000x128xf32>
    %get3A_2 = arith.constant 0 : index
    %get3A_3 = arith.constant 0 : index
    %get3A_4 = vector.load %arg3[%get3A_2, %get3A_3] : memref<128x128xf32, #tpu.memory_space<vmem>>, vector<128x128xf32>
    %dot_general3A = arith.constant dense<0.000000e+00> : vector<1000x128xf32>
    %dot_general3A_5 = tpu.matmul %get3A_1, %get3A_4, %dot_general3A {dimension_numbers = #tpu.dot_dimension_numbers<[1], [0], [0], [1], [0, 0, 1, 1], [], []>, transpose_lhs_hint = false} : vector<1000x128xf32>, vector<128x128xf32>, vector<1000x128xf32> -> vector<1000x128xf32>
    %get3A_6 = arith.constant 0 : index
    %get3A_7 = arith.constant 0 : index
    %get3A_8 = arith.constant 0 : index
    %get3A_9 = vector.load %arg1[%get3A_6, %get3A_7, %get3A_8] : memref<2x1000x128xf32, #tpu.memory_space<vmem>>, vector<1x1000x128xf32>
    %get3A_10 = vector.shape_cast %get3A_9 : vector<1x1000x128xf32> to vector<1000x128xf32>
    %add3A = arith.addf %dot_general3A_5, %get3A_10 : vector<1000x128xf32>
    %get3A_11 = arith.constant 1 : index
    %get3A_12 = arith.constant 0 : index
    %get3A_13 = arith.constant 0 : index
    %get3A_14 = vector.load %arg1[%get3A_11, %get3A_12, %get3A_13] : memref<2x1000x128xf32, #tpu.memory_space<vmem>>, vector<1x1000x128xf32>
    %get3A_15 = vector.shape_cast %get3A_14 : vector<1x1000x128xf32> to vector<1000x128xf32>
    %add3A_16 = arith.addf %add3A, %get3A_15 : vector<1000x128xf32>
    %get3A_17 = arith.constant 0 : index
    %get3A_18 = arith.constant 0 : index
    %get3A_19 = vector.load %arg4[%get3A_17, %get3A_18] : memref<1x128xf32, #tpu.memory_space<vmem>>, vector<1x128xf32>
    %add3A_20 = vector.broadcast %get3A_19 : vector<1x128xf32> to vector<1000x128xf32>
    %add3A_21 = arith.addf %add3A_16, %add3A_20 : vector<1000x128xf32>
    %max3A = arith.constant 0.000000e+00 : f32
    %max3A_22 = vector.broadcast %max3A : f32 to vector<1000x128xf32>
    %max3A_23 = arith.maximumf %add3A_21, %max3A_22 : vector<1000x128xf32>
    %swap3A = arith.constant 0 : index
    %swap3A_24 = arith.constant 0 : index
    %swap3A_25 = vector.load %arg5[%swap3A, %swap3A_24] : memref<1000x128xf32, #tpu.memory_space<vmem>>, vector<1000x128xf32>
    tpu.vector_store %arg5[%swap3A, %swap3A_24], %max3A_23 {strides = array<i32>} : memref<1000x128xf32, #tpu.memory_space<vmem>>, vector<1000x128xf32>,
    return
  }
  func.func @transform_0(%arg0: i32) -> (i32, i32, i32) {
    %c0_i32 = arith.constant 0 : i32
    %c0_i32_0 = arith.constant 0 : i32
    %c0_i32_1 = arith.constant 0 : i32
    return %c0_i32, %arg0, %c0_i32_0 : i32, i32, i32
  }
  func.func @transform_1(%arg0: i32) -> (i32, i32) {
    %c0_i32 = arith.constant 0 : i32
    %c0_i32_0 = arith.constant 0 : i32
    return %arg0, %c0_i32 : i32, i32
  }
  func.func @transform_2(%arg0: i32) -> (i32, i32) {
    %c0_i32 = arith.constant 0 : i32
    %c0_i32_0 = arith.constant 0 : i32
    %c0_i32_1 = arith.constant 0 : i32
    return %c0_i32, %c0_i32_0 : i32, i32
  }
  func.func @transform_3(%arg0: i32) -> (i32, i32) {
    %c0_i32 = arith.constant 0 : i32
    %c0_i32_0 = arith.constant 0 : i32
    %c0_i32_1 = arith.constant 0 : i32
    return %c0_i32, %c0_i32_0 : i32, i32
  }
  func.func @transform_4(%arg0: i32) -> (i32, i32) {
    %c0_i32 = arith.constant 0 : i32
    %c0_i32_0 = arith.constant 0 : i32
    return %arg0, %c0_i32 : i32, i32
  }
}

module attributes {stable_mosaic.version = 14 : i64} {
  func.func @_finish_body(%arg0: i32, %arg1: memref<2x1000x128xf32, #tpu.memory_space<vmem>>, %arg2: memref<1000x128xf32, #tpu.memory_space<vmem>>, %arg3: memref<128x128xf32, #tpu.memory_space<vmem>>, %arg4: memref<1x128xf32, #tpu.memory_space<vmem>>, %arg5: memref<1000x128xf32, #tpu.memory_space<vmem>>) attributes {dimension_semantics = [#tpu.dimension_semantics<arbitrary>], iteration_bounds = array<i64: 10>, scalar_prefetch = 0 : i64, scratch_operands = 0 : i64, tpu.core_type = #tpu.core_type<tc>, window_params = [{transform_indices = @transform_0, window_bounds = array<i64: 2, 1000, 128>}, {transform_indices = @transform_1, window_bounds = array<i64: 1000, 128>}, {pipeline_mode = #tpu.pipeline_mode<synchronous>, transform_indices = @transform_2, window_bounds = array<i64: 128, 128>}, {pipeline_mode = #tpu.pipeline_mode<synchronous>, transform_indices = @transform_3, window_bounds = array<i64: 1, 128>}, {transform_indices = @transform_4, window_bounds = array<i64: 1000, 128>}]} {
    %get3A = arith.constant 0 : index
    %get3A_0 = arith.constant 0 : index
    %get3A_1 = vector.load %arg2[%get3A, %get3A_0] : memref<1000x128xf32, #tpu.memory_space<vmem>>, vector<1000x128xf32>
    %get3A_2 = arith.constant 0 : index
    %get3A_3 = arith.constant 0 : index
    %get3A_4 = vector.load %arg3[%get3A_2, %get3A_3] : memref<128x128xf32, #tpu.memory_space<vmem>>, vector<128x128xf32>
    %dot_general3A = arith.constant dense<0.000000e+00> : vector<1000x128xf32>
    %dot_general3A_5 = tpu.matmul %get3A_1, %get3A_4, %dot_general3A {dimension_numbers = #tpu.dot_dimension_numbers<[1], [0], [0], [1], [0, 0, 1, 1], [], []>, transpose_lhs_hint = false} : vector<1000x128xf32>, vector<128x128xf32>, vector<1000x128xf32> -> vector<1000x128xf32>
    %get3A_6 = arith.constant 0 : index
    %get3A_7 = arith.constant 0 : index
    %get3A_8 = arith.constant 0 : index
    %get3A_9 = vector.load %arg1[%get3A_6, %get3A_7, %get3A_8] : memref<2x1000x128xf32, #tpu.memory_space<vmem>>, vector<1x1000x128xf32>
    %get3A_10 = vector.shape_cast %get3A_9 : vector<1x1000x128xf32> to vector<1000x128xf32>
    %add3A = arith.addf %dot_general3A_5, %get3A_10 : vector<1000x128xf32>
    %get3A_11 = arith.constant 1 : index
    %get3A_12 = arith.constant 0 : index
    %get3A_13 = arith.constant 0 : index
    %get3A_14 = vector.load %arg1[%get3A_11, %get3A_12, %get3A_13] : memref<2x1000x128xf32, #tpu.memory_space<vmem>>, vector<1x1000x128xf32>
    %get3A_15 = vector.shape_cast %get3A_14 : vector<1x1000x128xf32> to vector<1000x128xf32>
    %add3A_16 = arith.addf %add3A, %get3A_15 : vector<1000x128xf32>
    %get3A_17 = arith.constant 0 : index
    %get3A_18 = arith.constant 0 : index
    %get3A_19 = vector.load %arg4[%get3A_17, %get3A_18] : memref<1x128xf32, #tpu.memory_space<vmem>>, vector<1x128xf32>
    %add3A_20 = vector.broadcast %get3A_19 : vector<1x128xf32> to vector<1000x128xf32>
    %add3A_21 = arith.addf %add3A_16, %add3A_20 : vector<1000x128xf32>
    %max3A = arith.constant 0.000000e+00 : f32
    %max3A_22 = vector.broadcast %max3A : f32 to vector<1000x128xf32>
    %max3A_23 = arith.maximumf %add3A_21, %max3A_22 : vector<1000x128xf32>
    %swap3A = arith.constant 0 : index
    %swap3A_24 = arith.constant 0 : index
    %swap3A_25 = vector.load %arg5[%swap3A, %swap3A_24] : memref<1000x128xf32, #tpu.memory_space<vmem>>, vector<1000x128xf32>
    tpu.vector_store %arg5[%swap3A, %swap3A_24], %max3A_23 {strides = array<i32>} : memref<1000x128xf32, #tpu.memory_space<vmem>>, vector<1000x128xf32>,
    return
  }
  func.func @transform_0(%arg0: i32) -> (i32, i32, i32) {
    %c0_i32 = arith.constant 0 : i32
    %c0_i32_0 = arith.constant 0 : i32
    %c0_i32_1 = arith.constant 0 : i32
    return %c0_i32, %arg0, %c0_i32_0 : i32, i32, i32
  }
  func.func @transform_1(%arg0: i32) -> (i32, i32) {
    %c0_i32 = arith.constant 0 : i32
    %c0_i32_0 = arith.constant 0 : i32
    return %arg0, %c0_i32 : i32, i32
  }
  func.func @transform_2(%arg0: i32) -> (i32, i32) {
    %c0_i32 = arith.constant 0 : i32
    %c0_i32_0 = arith.constant 0 : i32
    %c0_i32_1 = arith.constant 0 : i32
    return %c0_i32, %c0_i32_0 : i32, i32
  }
  func.func @transform_3(%arg0: i32) -> (i32, i32) {
    %c0_i32 = arith.constant 0 : i32
    %c0_i32_0 = arith.constant 0 : i32
    %c0_i32_1 = arith.constant 0 : i32
    return %c0_i32, %c0_i32_0 : i32, i32
  }
  func.func @transform_4(%arg0: i32) -> (i32, i32) {
    %c0_i32 = arith.constant 0 : i32
    %c0_i32_0 = arith.constant 0 : i32
    return %arg0, %c0_i32 : i32, i32
  }
}

</mosaic_0001>

<sc_bundles>
// kernel: kernel.10.cloned.1.call-start
scs
__scs_entry_jumppad:
0x0: {  	(pc) =	sbr.rel $0x88, $3  }
0x1: {  	(tag) =	ssettag $0x0;
	lr =	simm.s32 $0x1  }
0x2: {  	[smem:$0x3F98] =	sst lr;
	_ =	strace $0xD0000000  }
0x3: {  	_ = 	snop  }
0x4: {  	_ = 	snop  }
0x5: {  	_ = 	snop  }
0x6: {  	_ = 	snop  }
0x7: {  	_ = 	snop  }
__scs_overlays_trampoline_lowered:
0x8: {  	[smem:$0x3FA7] =	sst s0  }
0x9: {  	[smem:$0x3FA8] =	sst s1  }
0xa: {  	[smem:$0x3FA9] =	sst s2  }
0xb: {  	[smem:$0x3FAA] =	sst s3  }
0xc: {  	[smem:$0x3FAB] =	sst s4  }
0xd: {  	[smem:$0x3FAC] =	sst s5  }
0xe: {  	[smem:$0x3FAD] =	sst s6  }
0xf: {  	[smem:$0x3FAE] =	sst s7  }
0x10: {  	[smem:$0x3FAF] =	sst s8  }
0x11: {  	[smem:$0x3FB0] =	sst s9;
	s0 =	simm.s32 @!p0 $0x0  }
0x12: {  	s1 =	sld [smem:$0x3F96];
	s0 =	simm.s32 @p0 $0x1  }
0x13: {  	[smem:$0x3FB1] =	sst s0;
	s0 =	simm.s32 @!p1 $0x0  }
0x14: {  	s2 =	sld [smem:$0x3F95];
	s0 =	simm.s32 @p1 $0x1  }
0x15: {  	[smem:$0x3FB2] =	sst s0;
	s0 =	simm.s32 @!p2 $0x0  }
0x16: {  	s3 =	sld [smem:$0x3FDB];
	s0 =	simm.s32 @p2 $0x1  }
0x17: {  	s4 =	simm.s32 $0x1BF5;
	[smem:$0x3FB4] =	sst s0  }
0x18: {  	s0 =	sld [smem:$0x3F97];
	_ =	swait.ge [sflag:s4], $0x0  }
0x19: {  	s7 =	sld [smem:$0x3F98]  }
0x1a: {  	s8 =	sadd.s32 $0xFFFFE003, lr  }
0x1b: {  	s9 =	sadd.s32 $0xFFFFFEF7, lr;
	s5 =	simm.s32 $0xFFFFFFFF;
	p2 =	slt.u32 s8, $0xFFFFF086  }
0x1c: {  	p1 =	slt.u32 s9, $0xF7A;
	s5 =	simm.s32 @!p2 $0x0  }
0x1d: {  	s5 =	simm.s32 @p1 $0x1;
	p0 =	seq.s32 s7, s2  }
0x1e: {  	s7 =	smul.u32 @!p0 $0xF7A, s2;
	p2 =	seq.s32 @!p0 s5, $0x0  }
0x1f: {  	s9 =	smul.u32 $0xF7A, s1;
	s8 =	simm.s32 @!p0 $0x1BF5;
	p2 =	por !p2, p0  }
0x20: {  	[sflag:s8] =	ssyncset.s32 @!p0 $0xFFFFF086;
	s6 =	sadd.s32 @!p0 s3, s7;
	s7 =	simm.s32 @!p0 $0x108  }
0x21: {  	s3 =	sadd.s32 s3, s9;
	s6 =	sadd.s32 @!p0 $0x88, s6;
	s7 =	simm.s32 @p2 $0x1082  }
0x22: {  	[simem:s7], [sflag:s8] =	dma.local @!p0 [hbm:s6], $0xF7A  }
0x23: {  	s9 =	sor.u32 $0xD0000000, s2;
	s6 =	simm.s32 $0x108;
	_ =	swait.ge @!p0 [sflag:s8], $0x0  }
0x24: {  	s3 =	sadd.s32 $0x88, s3;
	s6 =	simm.s32 @!p1 $0x1082;
	[sflag:s4] =	ssyncset.s32 $0xFFFFF086  }
0x25: {  	[simem:s6], [sflag:s4] =	dma.local [hbm:s3], $0xF7A  }
0x26: {  	[smem:$0x3F98] =	sst s1;
	(tag) =	ssettag s2;
	_ =	strace s9  }
0x27: {  	s1 =	sld [smem:$0x3FA8]  }
0x28: {  	s2 =	sld [smem:$0x3FA9]  }
0x29: {  	s4 =	sld [smem:$0x3FAB]  }
0x2a: {  	p0 =	seq.s32 s5, $0x0;
	s5 =	sld [smem:$0x3FAC]  }
0x2b: {  	s6 =	sld [smem:$0x3FAD]  }
0x2c: {  	s7 =	sld [smem:$0x3FAE]  }
0x2d: {  	s3 =	simm.s32 $0x108;
	s8 =	sld [smem:$0x3FAF]  }
0x2e: {  	s3 =	simm.s32 @!p0 $0x1082;
	s9 =	sld [smem:$0x3FB0]  }
0x2f: {  	lr =	sadd.s32 s0, s3;
	s0 =	sld [smem:$0x3FA7]  }
0x30: {  	s3 =	sld [smem:$0x3FAA]  }
0x31: {  	[smem:$0x3FB3] =	sst s10  }
0x32: {  	s10 =	sld [smem:$0x3FB1];
	_ =	sdelay $0x3  }
0x33: {  	p0 =	seq.s32 s10, $0x1;
	s10 =	sld [smem:$0x3FB3];
	_ =	sdelay $0x3  }
0x34: {  	[smem:$0x3FB3] =	sst s10  }
0x35: {  	s10 =	sld [smem:$0x3FB2];
	_ =	sdelay $0x3  }
0x36: {  	p1 =	seq.s32 s10, $0x1;
	s10 =	sld [smem:$0x3FB3];
	_ =	sdelay $0x3  }
0x37: {  	[smem:$0x3FB3] =	sst s10  }
0x38: {  	s10 =	sld [smem:$0x3FB4]  }
0x39: {  	_ = 	snop;
	(pc) =	sbr.ind lr, $3  }
0x3a: {  	_ = 	snop  }
0x3b: {  	_ = 	snop  }
0x3c: {  	p2 =	seq.s32 s10, $0x1;
	s10 =	sld [smem:$0x3FB3]  }
0x3d: {  	_ =	shalt  }
0x3e: {  	_ =	shalt  }
0x3f: {  	_ =	shalt  }
0x40: {  	_ =	shalt  }
0x41: {  	_ =	shalt  }
0x42: {  	_ =	shalt  }
0x43: {  	_ =	shalt  }
0x44: {  	_ =	shalt  }
0x45: {  	_ =	shalt  }
0x46: {  	_ =	shalt  }
0x47: {  	_ =	shalt  }
0x48: {  	_ =	shalt  }
0x49: {  	_ =	shalt  }
0x4a: {  	_ =	shalt  }
0x4b: {  	_ =	shalt  }
0x4c: {  	_ =	shalt  }
0x4d: {  	_ =	shalt  }
0x4e: {  	_ =	shalt  }
0x4f: {  	_ =	shalt  }
0x50: {  	_ =	shalt  }
0x51: {  	_ =	shalt  }
0x52: {  	_ =	shalt  }
0x53: {  	_ =	shalt  }
0x54: {  	_ =	shalt  }
0x55: {  	_ =	shalt  }
0x56: {  	_ =	shalt  }
0x57: {  	_ =	shalt  }
0x58: {  	_ =	shalt  }
0x59: {  	_ =	shalt  }
0x5a: {  	_ =	shalt  }
0x5b: {  	_ =	shalt  }
0x5c: {  	_ =	shalt  }
0x5d: {  	_ =	shalt  }
0x5e: {  	_ =	shalt  }
0x5f: {  	_ =	shalt  }
0x60: {  	_ =	shalt  }
0x61: {  	_ =	shalt  }
0x62: {  	_ =	shalt  }
0x63: {  	_ =	shalt  }
0x64: {  	_ =	shalt  }
0x65: {  	_ =	shalt  }
0x66: {  	_ =	shalt  }
0x67: {  	_ =	shalt  }
0x68: {  	_ =	shalt  }
0x69: {  	_ =	shalt  }
0x6a: {  	_ =	shalt  }
0x6b: {  	_ =	shalt  }
0x6c: {  	_ =	shalt  }
0x6d: {  	_ =	shalt  }
0x6e: {  	_ =	shalt  }
0x6f: {  	_ =	shalt  }
0x70: {  	_ =	shalt  }
0x71: {  	_ =	shalt  }
0x72: {  	_ =	shalt  }
0x73: {  	_ =	shalt  }
0x74: {  	_ =	shalt  }
0x75: {  	_ =	shalt  }
0x76: {  	_ =	shalt  }
0x77: {  	_ =	shalt  }
0x78: {  	_ =	shalt  }
0x79: {  	_ =	shalt  }
0x7a: {  	_ =	shalt  }
0x7b: {  	_ =	shalt  }
0x7c: {  	_ =	shalt  }
0x7d: {  	_ =	shalt  }
0x7e: {  	_ =	shalt  }
0x7f: {  	_ =	shalt  }
0x80: {  	_ =	shalt  }
0x81: {  	_ =	shalt  }
0x82: {  	_ =	shalt  }
0x83: {  	_ =	shalt  }
0x84: {  	_ =	shalt  }
0x85: {  	_ =	shalt  }
0x86: {  	_ =	shalt  }
0x87: {  	_ =	shalt  }
.Lfunc_end0:
.L_simem_size_0:
called_computation_lowered:
.L_overlay_start_0:
0x88: {  	s2 =	sld [smem:$0x3FD9]  }
0x89: {  	s3 =	sld [smem:$0x3FFE];
	_ =	sdelay $0x1  }
0x8a: {  	s1 =	srdreg.scid  }
0x8b: {  	s0 =	sand.u32 $0x1, s1  }
0x8c: {  	s17 =	sshll.u32 s0, $0xA;
	s2 =	sadd.s32 s3, s2  }
0x8d: {  	s2 =	sadd.s32 s2, s17  }
0x8e: {  	[smem:$0x3FBF] =	sst s2  }
0x8f: {  	_ = 	snop  }
0x90: {  	s2 =	sld [smem:$0x3FC9];
	(tm) =	ssettm $0x1  }
0x91: {  	s18 =	sld [smem:$0x3FFB];
	_ =	sdelay $0x3  }
0x92: {  	_ =	strace s18  }
0x93: {  	s3 =	sld [smem:$0x3FFC];
	_ =	sdelay $0x3  }
0x94: {  	_ =	strace s3  }
0x95: {  	s3 =	sld [smem:$0x3FFD];
	_ =	sdelay $0x3  }
0x96: {  	_ =	strace s3  }
0x97: {  	_ =	strace $0x8FFFFFFF  }
0x98: {  	s19 =	sld [smem:$0x3FDB];
	_ =	sdelay $0x1  }
0x99: {  	s4 =	simm.s32 $_scs_section_size  }
0x9a: {  	s5 =	simm.s32 $_size__tile_overlayer_lowered;
	s6 =	simm.s32 $_tile_overlayer_lowered  }
0x9b: {  	s22 =	simm.s32 $0x1BFF;
	s21 =	sshll.u32 s6, $0x1;
	s3 =	sadd.s32 s4, s19  }
0x9c: {  	s7 =	simm.s32 $0x0;
	s20 =	sshll.u32 s5, $0x1;
	s5 =	sadd.s32 s21, s3  }
0x9d: {  	[timem:s7], [sflag:s22] =	dma.local [hbm:s5], s20  }
0x9e: {  	_ =	swait.ge [sflag:s22], s20  }
0x9f: {  	s4 =	ssub.s32 $0x0, s20;
	[sflag:s22] =	ssyncset.done $0x0  }
0xa0: {  	[sflag:s22] =	ssyncadd.s32 s4;
	_ =	sdelay $0x1  }
0xa1: {  	s23 =	simm.s32 $0x1B8B  }
0xa2: {  	_ =	swait.ge [sflag:s23], $0x1  }
0xa3: {  	[sflag:s23] =	ssyncset.done $0x0  }
0xa4: {  	s25 =	simm.s32 $0x1B8E;
	s24 =	sld [smem:$0x3FFE];
	[sflag:s23] =	ssyncadd.s32 $0xFFFFFFFF  }
0xa5: {  	s26 =	simm.s32 $execute0_lowered;
	[smem:$0x3FD2] =	sst s25  }
0xa6: {  	s5 =	sshll.u32 s26, $0x1;
	_ =	strace $0x80000046;
	[dreg:$0x1] =	wrdreg $0xFFFFFFFF  }
0xa7: {  	s28 =	simm.s32 $_size_execute0_lowered;
	s3 =	sadd.s32 s3, s5;
	[dreg:$0x0] =	wrdreg $0x0  }
0xa8: {  	s5 =	sshll.u32 s28, $0x1;
	[dreg:$0x2] =	wrdreg s3  }
0xa9: {  	[dreg:$0x3] =	wrdreg s5  }
0xaa: {  	[dreg:$0x4] =	wrdreg $0xC0  }
0xab: {  	_ =	task [dreg:s7], $0x5FFFF  }
0xac: {  	[dreg:$0x1] =	wrdreg $0xFFFFFFFF  }
0xad: {  	[dreg:$0x0] =	wrdreg $0x60  }
0xae: {  	[dreg:$0x2] =	wrdreg s2  }
0xaf: {  	[dreg:$0x3] =	wrdreg s24  }
0xb0: {  	[dreg:$0x4] =	wrdreg $0x9  }
0xb1: {  	_ =	task.clear_ibuf [dreg:s7], $0x5FFFF;
	_ =	strace $0x90000046  }
0xb2: {  	s29 =	simm.s32 $0x9;
	_ =	strace $0x80000048  }
0xb3: {  	_ =	swait.ge [sflag:s29], $0x1  }
0xb4: {  	[sflag:s29] =	ssyncadd.s32 $0xFFFFFFFF  }
0xb5: {  	_ =	strace $0x90000048  }
0xb6: {  	_ =	sfence  }
0xb7: {  	s30 =	sld [smem:$0x0];
	_ =	sdelay $0x2  }
0xb8: {  	s31 =	sshll.u32 s1, $0xD;
	s1 =	sshrl.u32 s1, $0x2  }
0xb9: {  	s3 =	sand.u32 $0x4000, s31;
	s1 =	sadd.s32 s1, s30  }
0xba: {  	s0 =	sor.u32 s3, s0;
	s1 =	sshll.u32 s1, $0x11  }
0xbb: {  	s0 =	sor.u32 s1, s0  }
0xbc: {  	s0 =	sadd.s32 $0x8F2B, s0  }
0xbd: {  	[sflag:s0] =	ssyncadd.remote.s32 $0x1  }
0xbe: {  	_ =	sfence.sel $0xFFFF  }
0xbf: {  	[dreg:$0x0] =	wrdreg $0xFFFFFFFF;
	(pc) =	sbr.abs _section_cstart, $3  }
0xc0: {  	[dreg:$0x1] =	wrdreg $0xFFFFFFFF  }
0xc1: {  	_ =	task.clear_ibuf [dreg:s7], $0x2FFFF;
	_ =	strace $0x9FFFFFFF  }
0xc2: {  	(tm) =	ssettm $0x7FFFFFFF  }
0xc3: {  	_ =	shalt  }
tec
execute0_lowered:
.L_overlay_start_1:
0x0: {  	(tag) =	ssettag $0x1  }
0x1: {  	s1 =	rddreg [dreg:$0x0]  }
0x2: {  	s0 =	srdreg.scid;
	s2 =	stileid.u32  }
0x3: {  	s4 =	rddreg [dreg:$0x1];
	s5 =	sand.u32 $0x1, s0;
	s8 =	smul.u32 $0x27800, s2  }
0x4: {  	s3 =	simm.s32 $0x0;
	s0 =	rddreg [dreg:$0x2];
	s6 =	smul.u32 $0x4F00, s5  }
0x5: {  	[smem:$0x7FF] =	sst s3;
	s7 =	smul.u32 $0x278000, s5;
	s5 =	ssub.s32 $0x2, s5  }
0x6: {  	s10 =	smul.u32 $0x4F0, s2;
	_ =	strace $0x80000047;
	s9 =	sshrl.u32 s5, $0x1  }
0x7: {  	s6 =	sadd.s32 s6, s4;
	s7 =	sadd.s32 s7, s4;
	s30 =	ssub.s32 s5, s9  }
0x8: {  	s9 =	simm.s32 $0x1;
	s4 =	smax.u32 s30, $0x1;
	s31 =	sadd.s32 s8, s7  }
0x9: {  	s6 =	sadd.s32 s10, s6;
	s7 =	simm.s32 $0x2;
	s8 =	simm.s32 $0x80  }
0xa: {  	s10 =	simm.s32 $0x0;
	s5 =	sadd.s32 $0xC000, s31;
	s6 =	sadd.s32 $0x2200, s6  }
.LBB2_1:
0xb: {  	s11 =	sadd.s32 $0x0, s6  }
0xc: {  	[tilespmem:s3], [sflag:$0x2] =	stream.linear.gather [hbm4b:s11+s3], $0x80, $0x38;
	[tilespmem:$0x4080] =	vst v63  }
0xd: {  	_ =	swait.ge [sflag:s7], $0x80  }
0xe: {  	[sflag:s7] =	ssyncset.done $0x0  }
0xf: {  	[sflag:s7] =	ssyncadd.s32 $0xFFFFFF80  }
0x10: {  	[tilespmem:s8], [sflag:$0x1] =	stream.indirect.gather [hbm4b:s1+s8], $0x80, s3, s8, $0xb8;
	[tilespmem:$0x4080] =	vst v63  }
0x11: {  	_ =	swait.ge [sflag:s9], $0x4000  }
0x12: {  	[sflag:s9] =	ssyncset.done $0x0  }
0x13: {  	[sflag:s9] =	ssyncadd.s32 $0xFFFFC000  }
0x14: {  	[hbm4b:s5+s3] =	stream.linear.scatter [tilespmem:s8], [sflag:$0x2], $0x4000, $0x38;
	[tilespmem:$0x4080] =	vst v63  }
0x15: {  	s12 =	simm.s32 $0x10;
	_ =	swait.ge [sflag:s7], $0x4000  }
0x16: {  	s13 =	simm.s32 $0x20;
	s11 =	sadd.s32 $0x800, s5;
	[sflag:s7] =	ssyncset.done $0x0  }
.LBB2_2:
0x17: {  	s14 =	sadd.s32 s12, s6  }
0x18: {  	[sflag:s7] =	ssyncadd.s32 $0xFFFFC000;
	s12 =	smov.u32 s13;
	s15 =	sadd.s32 $0x10, s13  }
0x19: {  	[tilespmem:s3], [sflag:$0x2] =	stream.linear.gather [hbm4b:s14+s3], $0x80, $0x38;
	[tilespmem:$0x4080] =	vst v63  }
0x1a: {  	p0 =	sne.s32 s13, $0x4E0;
	_ =	swait.ge [sflag:s7], $0x80  }
0x1b: {  	[sflag:s7] =	ssyncset.done $0x0  }
0x1c: {  	[sflag:s7] =	ssyncadd.s32 $0xFFFFFF80  }
0x1d: {  	[tilespmem:s8], [sflag:$0x1] =	stream.indirect.gather [hbm4b:s1+s8], $0x80, s3, s8, $0xb8;
	[tilespmem:$0x4080] =	vst v63  }
0x1e: {  	_ =	swait.ge [sflag:s9], $0x4000  }
.Ltmp0:
0x1f: {  	[sflag:s9] =	ssyncset.done $0x0;
	(pc) =	sbr.rel @p0 .LBB2_2-.Ltmp0, $4  }
0x20: {  	[sflag:s9] =	ssyncadd.s32 $0xFFFFC000  }
0x21: {  	[hbm4b:s11+s3] =	stream.linear.scatter [tilespmem:s8], [sflag:$0x2], $0x4000, $0x38;
	[tilespmem:$0x4080] =	vst v63  }
0x22: {  	_ =	swait.ge [sflag:s7], $0x4000  }
0x23: {  	s13 =	smov.u32 s15;
	s11 =	sadd.s32 $0x800, s11;
	[sflag:s7] =	ssyncset.done $0x0  }
0x24: {  	s12 =	sadd.s32 s12, s6;
	[sflag:s7] =	ssyncadd.s32 $0xFFFFC000  }
0x25: {  	[tilespmem:s3], [sflag:$0x2] =	stream.linear.gather [hbm4b:s12+s3], $0x80, $0x38;
	[tilespmem:$0x4080] =	vst v63  }
0x26: {  	_ =	swait.ge [sflag:s7], $0x80  }
0x27: {  	[sflag:s7] =	ssyncset.done $0x0  }
0x28: {  	[sflag:s7] =	ssyncadd.s32 $0xFFFFFF80  }
0x29: {  	[tilespmem:s8], [sflag:$0x1] =	stream.indirect.gather [hbm4b:s1+s8], $0x80, s3, s8, $0xb8;
	[tilespmem:$0x4080] =	vst v63  }
0x2a: {  	s10 =	sadd.s32 $0x1, s10;
	_ =	swait.ge [sflag:s9], $0x4000  }
0x2b: {  	p0 =	sne.s32 s10, s4;
	[sflag:s9] =	ssyncset.done $0x0  }
.Ltmp1:
0x2c: {  	[sflag:s9] =	ssyncadd.s32 $0xFFFFC000;
	(pc) =	sbr.rel @p0 .LBB2_1-.Ltmp1, $4  }
0x2d: {  	[hbm4b:s11+s3] =	stream.linear.scatter [tilespmem:s8], [sflag:$0x2], $0x4000, $0x38;
	[tilespmem:$0x4080] =	vst v63  }
0x2e: {  	_ =	swait.ge [sflag:s7], $0x4000  }
0x2f: {  	[sflag:s7] =	ssyncset.done $0x0  }
0x30: {  	[sflag:s7] =	ssyncadd.s32 $0xFFFFC000  }
0x31: {  	_ =	sfence.sel $0x180000  }
0x32: {  	[bflag:$0x0] =	sbarrier.arrive $0xFFFF  }
0x33: {  	p0 =	sne.s32 s2, $0x0;
	_ =	strace $0x90000047  }
0x34: {  	s0 =	sadd.s32 @!p0 $0x100000, s0;
	[bflag:$0x2] =	sbarrier.arrive $0xFFFF  }
0x35: {  	[sflag:s0] =	ssyncadd.tile.s32 @!p0 $0x1;
	_ =	shalt  }
.Lfunc_end2:
_tile_overlayer_lowered:
.L_overlay_start_2:
0x36: {  	(tag) =	ssettag $0x2  }
0x37: {  	s0 =	rddreg [dreg:$0x0];
	s2 =	stileid.u32  }
0x38: {  	s1 =	rddreg [dreg:$0x1];
	p0 =	sne.s32 s2, $0x0  }
0x39: {  	s3 =	rddreg [dreg:$0x2];
	[bflag:$0x3] =	sbarrier.arrive $0xFFFF;
	s2 =	simm.s32 @!p0 $0x1C02  }
0x3a: {  	[timem:s3], [sflag:s2] =	dma.local @!p0 [hbm:s0], s1  }
0x3b: {  	s0 =	simm.s32 @!p0 $0x2  }
0x3c: {  	_ =	swait.ge @!p0 [sflag:s0], s1  }
0x3d: {  	s1 =	ssub.s32 @!p0 $0x0, s1;
	[sflag:s0] =	ssyncset.done @!p0 $0x0  }
0x3e: {  	[sflag:s0] =	ssyncadd.s32 @!p0 s1  }
0x3f: {  	[bflag:$0x3] =	sbarrier.arrive $0xFFFF  }
0x40: {  	_ =	shalt  }

// kernel: kernel.13.cloned.1.call-start
scs
__scs_entry_jumppad:
0x0: {  	(pc) =	sbr.rel $0x88, $3  }
0x1: {  	(tag) =	ssettag $0x0;
	lr =	simm.s32 $0x1  }
0x2: {  	[smem:$0x3F98] =	sst lr;
	_ =	strace $0xD0000000  }
0x3: {  	_ = 	snop  }
0x4: {  	_ = 	snop  }
0x5: {  	_ = 	snop  }
0x6: {  	_ = 	snop  }
0x7: {  	_ = 	snop  }
__scs_overlays_trampoline_lowered:
0x8: {  	[smem:$0x3FA7] =	sst s0  }
0x9: {  	[smem:$0x3FA8] =	sst s1  }
0xa: {  	[smem:$0x3FA9] =	sst s2  }
0xb: {  	[smem:$0x3FAA] =	sst s3  }
0xc: {  	[smem:$0x3FAB] =	sst s4  }
0xd: {  	[smem:$0x3FAC] =	sst s5  }
0xe: {  	[smem:$0x3FAD] =	sst s6  }
0xf: {  	[smem:$0x3FAE] =	sst s7  }
0x10: {  	[smem:$0x3FAF] =	sst s8  }
0x11: {  	[smem:$0x3FB0] =	sst s9;
	s0 =	simm.s32 @!p0 $0x0  }
0x12: {  	s1 =	sld [smem:$0x3F96];
	s0 =	simm.s32 @p0 $0x1  }
0x13: {  	[smem:$0x3FB1] =	sst s0;
	s0 =	simm.s32 @!p1 $0x0  }
0x14: {  	s2 =	sld [smem:$0x3F95];
	s0 =	simm.s32 @p1 $0x1  }
0x15: {  	[smem:$0x3FB2] =	sst s0;
	s0 =	simm.s32 @!p2 $0x0  }
0x16: {  	s3 =	sld [smem:$0x3FDB];
	s0 =	simm.s32 @p2 $0x1  }
0x17: {  	s4 =	simm.s32 $0x1BF5;
	[smem:$0x3FB4] =	sst s0  }
0x18: {  	s0 =	sld [smem:$0x3F97];
	_ =	swait.ge [sflag:s4], $0x0  }
0x19: {  	s7 =	sld [smem:$0x3F98]  }
0x1a: {  	s8 =	sadd.s32 $0xFFFFE003, lr  }
0x1b: {  	s9 =	sadd.s32 $0xFFFFFEF7, lr;
	s5 =	simm.s32 $0xFFFFFFFF;
	p2 =	slt.u32 s8, $0xFFFFF086  }
0x1c: {  	p1 =	slt.u32 s9, $0xF7A;
	s5 =	simm.s32 @!p2 $0x0  }
0x1d: {  	s5 =	simm.s32 @p1 $0x1;
	p0 =	seq.s32 s7, s2  }
0x1e: {  	s7 =	smul.u32 @!p0 $0xF7A, s2;
	p2 =	seq.s32 @!p0 s5, $0x0  }
0x1f: {  	s9 =	smul.u32 $0xF7A, s1;
	s8 =	simm.s32 @!p0 $0x1BF5;
	p2 =	por !p2, p0  }
0x20: {  	[sflag:s8] =	ssyncset.s32 @!p0 $0xFFFFF086;
	s6 =	sadd.s32 @!p0 s3, s7;
	s7 =	simm.s32 @!p0 $0x108  }
0x21: {  	s3 =	sadd.s32 s3, s9;
	s6 =	sadd.s32 @!p0 $0x88, s6;
	s7 =	simm.s32 @p2 $0x1082  }
0x22: {  	[simem:s7], [sflag:s8] =	dma.local @!p0 [hbm:s6], $0xF7A  }
0x23: {  	s9 =	sor.u32 $0xD0000000, s2;
	s6 =	simm.s32 $0x108;
	_ =	swait.ge @!p0 [sflag:s8], $0x0  }
0x24: {  	s3 =	sadd.s32 $0x88, s3;
	s6 =	simm.s32 @!p1 $0x1082;
	[sflag:s4] =	ssyncset.s32 $0xFFFFF086  }
0x25: {  	[simem:s6], [sflag:s4] =	dma.local [hbm:s3], $0xF7A  }
0x26: {  	[smem:$0x3F98] =	sst s1;
	(tag) =	ssettag s2;
	_ =	strace s9  }
0x27: {  	s1 =	sld [smem:$0x3FA8]  }
0x28: {  	s2 =	sld [smem:$0x3FA9]  }
0x29: {  	s4 =	sld [smem:$0x3FAB]  }
0x2a: {  	p0 =	seq.s32 s5, $0x0;
	s5 =	sld [smem:$0x3FAC]  }
0x2b: {  	s6 =	sld [smem:$0x3FAD]  }
0x2c: {  	s7 =	sld [smem:$0x3FAE]  }
0x2d: {  	s3 =	simm.s32 $0x108;
	s8 =	sld [smem:$0x3FAF]  }
0x2e: {  	s3 =	simm.s32 @!p0 $0x1082;
	s9 =	sld [smem:$0x3FB0]  }
0x2f: {  	lr =	sadd.s32 s0, s3;
	s0 =	sld [smem:$0x3FA7]  }
0x30: {  	s3 =	sld [smem:$0x3FAA]  }
0x31: {  	[smem:$0x3FB3] =	sst s10  }
0x32: {  	s10 =	sld [smem:$0x3FB1];
	_ =	sdelay $0x3  }
0x33: {  	p0 =	seq.s32 s10, $0x1;
	s10 =	sld [smem:$0x3FB3];
	_ =	sdelay $0x3  }
0x34: {  	[smem:$0x3FB3] =	sst s10  }
0x35: {  	s10 =	sld [smem:$0x3FB2];
	_ =	sdelay $0x3  }
0x36: {  	p1 =	seq.s32 s10, $0x1;
	s10 =	sld [smem:$0x3FB3];
	_ =	sdelay $0x3  }
0x37: {  	[smem:$0x3FB3] =	sst s10  }
0x38: {  	s10 =	sld [smem:$0x3FB4]  }
0x39: {  	_ = 	snop;
	(pc) =	sbr.ind lr, $3  }
0x3a: {  	_ = 	snop  }
0x3b: {  	_ = 	snop  }
0x3c: {  	p2 =	seq.s32 s10, $0x1;
	s10 =	sld [smem:$0x3FB3]  }
0x3d: {  	_ =	shalt  }
0x3e: {  	_ =	shalt  }
0x3f: {  	_ =	shalt  }
0x40: {  	_ =	shalt  }
0x41: {  	_ =	shalt  }
0x42: {  	_ =	shalt  }
0x43: {  	_ =	shalt  }
0x44: {  	_ =	shalt  }
0x45: {  	_ =	shalt  }
0x46: {  	_ =	shalt  }
0x47: {  	_ =	shalt  }
0x48: {  	_ =	shalt  }
0x49: {  	_ =	shalt  }
0x4a: {  	_ =	shalt  }
0x4b: {  	_ =	shalt  }
0x4c: {  	_ =	shalt  }
0x4d: {  	_ =	shalt  }
0x4e: {  	_ =	shalt  }
0x4f: {  	_ =	shalt  }
0x50: {  	_ =	shalt  }
0x51: {  	_ =	shalt  }
0x52: {  	_ =	shalt  }
0x53: {  	_ =	shalt  }
0x54: {  	_ =	shalt  }
0x55: {  	_ =	shalt  }
0x56: {  	_ =	shalt  }
0x57: {  	_ =	shalt  }
0x58: {  	_ =	shalt  }
0x59: {  	_ =	shalt  }
0x5a: {  	_ =	shalt  }
0x5b: {  	_ =	shalt  }
0x5c: {  	_ =	shalt  }
0x5d: {  	_ =	shalt  }
0x5e: {  	_ =	shalt  }
0x5f: {  	_ =	shalt  }
0x60: {  	_ =	shalt  }
0x61: {  	_ =	shalt  }
0x62: {  	_ =	shalt  }
0x63: {  	_ =	shalt  }
0x64: {  	_ =	shalt  }
0x65: {  	_ =	shalt  }
0x66: {  	_ =	shalt  }
0x67: {  	_ =	shalt  }
0x68: {  	_ =	shalt  }
0x69: {  	_ =	shalt  }
0x6a: {  	_ =	shalt  }
0x6b: {  	_ =	shalt  }
0x6c: {  	_ =	shalt  }
0x6d: {  	_ =	shalt  }
0x6e: {  	_ =	shalt  }
0x6f: {  	_ =	shalt  }
0x70: {  	_ =	shalt  }
0x71: {  	_ =	shalt  }
0x72: {  	_ =	shalt  }
0x73: {  	_ =	shalt  }
0x74: {  	_ =	shalt  }
0x75: {  	_ =	shalt  }
0x76: {  	_ =	shalt  }
0x77: {  	_ =	shalt  }
0x78: {  	_ =	shalt  }
0x79: {  	_ =	shalt  }
0x7a: {  	_ =	shalt  }
0x7b: {  	_ =	shalt  }
0x7c: {  	_ =	shalt  }
0x7d: {  	_ =	shalt  }
0x7e: {  	_ =	shalt  }
0x7f: {  	_ =	shalt  }
0x80: {  	_ =	shalt  }
0x81: {  	_ =	shalt  }
0x82: {  	_ =	shalt  }
0x83: {  	_ =	shalt  }
0x84: {  	_ =	shalt  }
0x85: {  	_ =	shalt  }
0x86: {  	_ =	shalt  }
0x87: {  	_ =	shalt  }
.Lfunc_end0:
.L_simem_size_0:
called_computation.1_lowered:
.L_overlay_start_0:
0x88: {  	s2 =	sld [smem:$0x3FD9]  }
0x89: {  	s3 =	sld [smem:$0x3FFE];
	_ =	sdelay $0x1  }
0x8a: {  	s1 =	srdreg.scid  }
0x8b: {  	s0 =	sand.u32 $0x1, s1  }
0x8c: {  	s16 =	sshll.u32 s0, $0xA;
	s2 =	sadd.s32 s3, s2  }
0x8d: {  	s2 =	sadd.s32 s2, s16  }
0x8e: {  	[smem:$0x3FBF] =	sst s2  }
0x8f: {  	_ = 	snop  }
0x90: {  	(tm) =	ssettm $0x1  }
0x91: {  	s17 =	sld [smem:$0x3FFB];
	_ =	sdelay $0x3  }
0x92: {  	_ =	strace s17  }
0x93: {  	s2 =	sld [smem:$0x3FFC];
	_ =	sdelay $0x3  }
0x94: {  	_ =	strace s2  }
0x95: {  	s2 =	sld [smem:$0x3FFD];
	_ =	sdelay $0x3  }
0x96: {  	_ =	strace s2  }
0x97: {  	_ =	strace $0x8FFFFFFF  }
0x98: {  	s18 =	sld [smem:$0x3FDB];
	_ =	sdelay $0x1  }
0x99: {  	s19 =	simm.s32 $_scs_section_size  }
0x9a: {  	s4 =	simm.s32 $_size__tile_overlayer_lowered;
	s5 =	simm.s32 $_tile_overlayer_lowered  }
0x9b: {  	s22 =	simm.s32 $0x1BFF;
	s21 =	sshll.u32 s5, $0x1;
	s2 =	sadd.s32 s19, s18  }
0x9c: {  	s6 =	simm.s32 $0x0;
	s20 =	sshll.u32 s4, $0x1;
	s4 =	sadd.s32 s21, s2  }
0x9d: {  	[timem:s6], [sflag:s22] =	dma.local [hbm:s4], s20  }
0x9e: {  	_ =	swait.ge [sflag:s22], s20  }
0x9f: {  	s3 =	ssub.s32 $0x0, s20;
	[sflag:s22] =	ssyncset.done $0x0  }
0xa0: {  	[sflag:s22] =	ssyncadd.s32 s3;
	_ =	sdelay $0x1  }
0xa1: {  	s23 =	simm.s32 $0x1B8B  }
0xa2: {  	_ =	swait.ge [sflag:s23], $0x1  }
0xa3: {  	[sflag:s23] =	ssyncset.done $0x0  }
0xa4: {  	s25 =	simm.s32 $0x1B8E;
	s24 =	sld [smem:$0x3FFE];
	[sflag:s23] =	ssyncadd.s32 $0xFFFFFFFF  }
0xa5: {  	s26 =	simm.s32 $execute0_lowered;
	[smem:$0x3FD2] =	sst s25  }
0xa6: {  	s4 =	sshll.u32 s26, $0x1;
	_ =	strace $0x80000049;
	[dreg:$0x1] =	wrdreg $0xFFFFFFFF  }
0xa7: {  	s28 =	simm.s32 $_size_execute0_lowered;
	s2 =	sadd.s32 s2, s4;
	[dreg:$0x0] =	wrdreg $0x0  }
0xa8: {  	s4 =	sshll.u32 s28, $0x1;
	[dreg:$0x2] =	wrdreg s2  }
0xa9: {  	[dreg:$0x3] =	wrdreg s4  }
0xaa: {  	[dreg:$0x4] =	wrdreg $0xC0  }
0xab: {  	_ =	task [dreg:s6], $0x5FFFF  }
0xac: {  	[dreg:$0x1] =	wrdreg $0xFFFFFFFF  }
0xad: {  	[dreg:$0x0] =	wrdreg $0x60  }
0xae: {  	[dreg:$0x2] =	wrdreg s24  }
0xaf: {  	[dreg:$0x3] =	wrdreg $0x40800  }
0xb0: {  	[dreg:$0x4] =	wrdreg $0x9  }
0xb1: {  	_ =	task.clear_ibuf [dreg:s6], $0x5FFFF;
	_ =	strace $0x90000049  }
0xb2: {  	s29 =	simm.s32 $0x9;
	_ =	strace $0x8000004B  }
0xb3: {  	_ =	swait.ge [sflag:s29], $0x1  }
0xb4: {  	[sflag:s29] =	ssyncadd.s32 $0xFFFFFFFF  }
0xb5: {  	_ =	strace $0x9000004B  }
0xb6: {  	_ =	sfence  }
0xb7: {  	s30 =	sld [smem:$0x0];
	_ =	sdelay $0x2  }
0xb8: {  	s31 =	sshll.u32 s1, $0xD;
	s1 =	sshrl.u32 s1, $0x2  }
0xb9: {  	s3 =	sand.u32 $0x4000, s31;
	s1 =	sadd.s32 s1, s30  }
0xba: {  	s0 =	sor.u32 s3, s0;
	s1 =	sshll.u32 s1, $0x11  }
0xbb: {  	s0 =	sor.u32 s1, s0  }
0xbc: {  	s0 =	sadd.s32 $0x8F2B, s0  }
0xbd: {  	[sflag:s0] =	ssyncadd.remote.s32 $0x1  }
0xbe: {  	_ =	sfence.sel $0xFFFF  }
0xbf: {  	[dreg:$0x0] =	wrdreg $0xFFFFFFFF;
	(pc) =	sbr.abs _section_cstart, $3  }
0xc0: {  	[dreg:$0x1] =	wrdreg $0xFFFFFFFF  }
0xc1: {  	_ =	task.clear_ibuf [dreg:s6], $0x2FFFF;
	_ =	strace $0x9FFFFFFF  }
0xc2: {  	(tm) =	ssettm $0x7FFFFFFF  }
0xc3: {  	_ =	shalt  }
tec
execute0_lowered:
.L_overlay_start_1:
0x0: {  	(tag) =	ssettag $0x1  }
0x1: {  	s23 =	stileid.u32  }
0x2: {  	s6 =	smul.u32 $0x14000, s23  }
0x3: {  	s7 =	smul.u32 $0x50000, s23  }
0x4: {  	s13 =	smul.u32 $0x280, s23  }
0x5: {  	s25 =	smul.u32 $0x2800, s23  }
0x6: {  	s2 =	srdreg.scid;
	s29 =	smul.u32 $0x27800, s23  }
0x7: {  	s2 =	sand.u32 $0x1, s2;
	s26 =	sshll.u32 s23, $0x6;
	s23 =	smul.u32 $0x4F0, s23  }
0x8: {  	s0 =	rddreg [dreg:$0x0];
	s4 =	smul.u32 $0x278000, s2  }
0x9: {  	s1 =	rddreg [dreg:$0x1];
	s3 =	simm.s32 $0x0;
	s5 =	smul.u32 $0x4F00, s2  }
0xa: {  	[smem:$0x7FF] =	sst s3;
	s16 =	sadd.s32 $0x505E00, s0;
	s17 =	smul.u32 $0x140000, s2  }
0xb: {  	_ =	strace $0x8000004A;
	s2 =	ssub.s32 $0x2, s2;
	s8 =	sor.u32 $0x1C01, s26  }
0xc: {  	s22 =	sshrl.u32 s2, $0x1;
	s24 =	sshrl.u32 s7, $0x2;
	s10 =	sadd.s32 $0x80, s13  }
0xd: {  	s7 =	sadd.s32 s16, s25;
	s11 =	sadd.s32 $0x100, s13;
	s14 =	sadd.s32 $0x180, s13  }
0xe: {  	s25 =	simm.s32 $0x0;
	s4 =	sadd.s32 s4, s0;
	s20 =	sadd.s32 s5, s0  }
0xf: {  	s0 =	sadd.s32 $0x52DE00, s0;
	s21 =	sadd.s32 s17, s6;
	s2 =	ssub.s32 s2, s22  }
0x10: {  	s28 =	sshll.u32 s10, $0x7;
	s10 =	sshll.u32 s10, $0x4;
	s18 =	sshll.u32 s11, $0x7  }
0x11: {  	s12 =	sshll.u32 s11, $0x4;
	s19 =	sshll.u32 s14, $0x7;
	s14 =	sshll.u32 s14, $0x4  }
0x12: {  	s5 =	sshrl.u32 s21, $0x3;
	s2 =	smax.u32 s2, $0x1;
	s9 =	sadd.s32 s28, s1  }
0x13: {  	s10 =	sadd.s32 s16, s10;
	s11 =	sadd.s32 s18, s1;
	s12 =	sadd.s32 s16, s12  }
0x14: {  	s21 =	sadd.s32 $0x200, s13;
	s13 =	sadd.s32 s19, s1;
	s14 =	sadd.s32 s16, s14  }
0x15: {  	s18 =	sadd.s32 s17, s18;
	s19 =	sadd.s32 s17, s19;
	s4 =	sadd.s32 s29, s4  }
0x16: {  	s31 =	sadd.s32 s23, s20;
	s23 =	simm.s32 $0x1;
	s5 =	sadd.s32 s0, s5  }
0x17: {  	[dreg:$0x4] =	wrdreg s2;
	s2 =	sadd.s32 s24, s1;
	s22 =	sshll.u32 s21, $0x7  }
0x18: {  	s21 =	sshll.u32 s21, $0x4;
	s18 =	sshrl.u32 s18, $0x3;
	[dreg:$0x3] =	wrdreg s5  }
0x19: {  	s19 =	sshrl.u32 s19, $0x3;
	s24 =	simm.s32 $0x80;
	[dreg:$0x5] =	wrdreg s2  }
0x1a: {  	s15 =	sadd.s32 s22, s1;
	s2 =	sadd.s32 s17, s28;
	s16 =	sadd.s32 s16, s21  }
0x1b: {  	s22 =	sadd.s32 s17, s22;
	s18 =	sadd.s32 s0, s18;
	s19 =	sadd.s32 s0, s19  }
0x1c: {  	s21 =	sadd.s32 $0xED7E00, s4;
	s2 =	sshrl.u32 s2, $0x3;
	s30 =	sshrl.u32 s22, $0x3  }
0x1d: {  	s22 =	sadd.s32 $0x4FC000, s31;
	s17 =	sadd.s32 s0, s2;
	s20 =	sadd.s32 s0, s30  }
.LBB2_1:
0x1e: {  	s0 =	rddreg [dreg:$0x5]  }
0x1f: {  	s26 =	sshrl.u32 s0, $0x3  }
0x20: {  	[spmem:s26], [sflag:s8] =	dma.local [hbm:s7], $0x800  }
0x21: {  	_ =	swait.ge [sflag:s23], $0x800  }
0x22: {  	[sflag:s23] =	ssyncset.done $0x0  }
0x23: {  	s28 =	sshrl.u32 s9, $0x3;
	[sflag:s23] =	ssyncadd.s32 $0xFFFFF800  }
0x24: {  	[spmem:s28], [sflag:s8] =	dma.local [hbm:s10], $0x800  }
0x25: {  	_ =	swait.ge [sflag:s23], $0x800  }
0x26: {  	[sflag:s23] =	ssyncset.done $0x0  }
0x27: {  	s29 =	sshrl.u32 s11, $0x3;
	[sflag:s23] =	ssyncadd.s32 $0xFFFFF800  }
0x28: {  	[spmem:s29], [sflag:s8] =	dma.local [hbm:s12], $0x800  }
0x29: {  	_ =	swait.ge [sflag:s23], $0x800  }
0x2a: {  	[sflag:s23] =	ssyncset.done $0x0  }
0x2b: {  	s30 =	sshrl.u32 s13, $0x3;
	[sflag:s23] =	ssyncadd.s32 $0xFFFFF800  }
0x2c: {  	[spmem:s30], [sflag:s8] =	dma.local [hbm:s14], $0x800  }
0x2d: {  	_ =	swait.ge [sflag:s23], $0x800  }
0x2e: {  	[sflag:s23] =	ssyncset.done $0x0  }
0x2f: {  	s31 =	sshrl.u32 s15, $0x3;
	[sflag:s23] =	ssyncadd.s32 $0xFFFFF800  }
0x30: {  	[spmem:s31], [sflag:s8] =	dma.local [hbm:s16], $0x800  }
0x31: {  	_ =	swait.ge [sflag:s23], $0x800  }
0x32: {  	[sflag:s23] =	ssyncset.done $0x0  }
0x33: {  	[sflag:s23] =	ssyncadd.s32 $0xFFFFF800  }
0x34: {  	s6 =	sadd.s32 $0x0, s22;
	[bflag:$0x0] =	sbarrier.arrive $0xFFFF  }
0x35: {  	[tilespmem:s3], [sflag:$0x1] =	stream.linear.gather [hbm4b:s6+s3], $0x80, $0x38;
	[tilespmem:$0x18080] =	vst v63  }
0x36: {  	_ =	swait.ge [sflag:s23], $0x80  }
0x37: {  	[sflag:s23] =	ssyncset.done $0x0  }
0x38: {  	[sflag:s23] =	ssyncadd.s32 $0xFFFFFF80  }
0x39: {  	[tilespmem:s24], [sflag:$0x1] =	stream.linear.gather [hbm4b:s21+s3], $0x4000, $0x38;
	[tilespmem:$0x18080] =	vst v63  }
0x3a: {  	_ =	swait.ge [sflag:s23], $0x4000  }
0x3b: {  	[sflag:s23] =	ssyncset.done $0x0  }
0x3c: {  	[sflag:s23] =	ssyncadd.s32 $0xFFFFC000  }
0x3d: {  	[spmem:s1] =	stream.indirect.scatter.add.f32 [tilespmem:s24], [sflag:$0x1], $0x80, s3, s24, $0xb8;
	[tilespmem:$0x18080] =	vst v63  }
0x3e: {  	s2 =	simm.s32 $0x10;
	_ =	swait.ge [sflag:s23], $0x4000  }
0x3f: {  	s4 =	simm.s32 $0x20;
	s0 =	sadd.s32 $0x800, s21;
	[sflag:s23] =	ssyncset.done $0x0  }
.LBB2_2:
0x40: {  	s5 =	sadd.s32 s2, s22  }
0x41: {  	[sflag:s23] =	ssyncadd.s32 $0xFFFFC000;
	s2 =	smov.u32 s4;
	s6 =	sadd.s32 $0x10, s4  }
0x42: {  	[tilespmem:s3], [sflag:$0x1] =	stream.linear.gather [hbm4b:s5+s3], $0x80, $0x38;
	[tilespmem:$0x18080] =	vst v63  }
0x43: {  	p0 =	sne.s32 s4, $0x4E0;
	_ =	swait.ge [sflag:s23], $0x80  }
0x44: {  	[sflag:s23] =	ssyncset.done $0x0  }
0x45: {  	[sflag:s23] =	ssyncadd.s32 $0xFFFFFF80  }
0x46: {  	[tilespmem:s24], [sflag:$0x1] =	stream.linear.gather [hbm4b:s0+s3], $0x4000, $0x38;
	[tilespmem:$0x18080] =	vst v63  }
0x47: {  	_ =	swait.ge [sflag:s23], $0x4000  }
.Ltmp0:
0x48: {  	[sflag:s23] =	ssyncset.done $0x0;
	(pc) =	sbr.rel @p0 .LBB2_2-.Ltmp0, $4  }
0x49: {  	[sflag:s23] =	ssyncadd.s32 $0xFFFFC000  }
0x4a: {  	[spmem:s1] =	stream.indirect.scatter.add.f32 [tilespmem:s24], [sflag:$0x1], $0x80, s3, s24, $0xb8;
	[tilespmem:$0x18080] =	vst v63  }
0x4b: {  	_ =	swait.ge [sflag:s23], $0x4000  }
0x4c: {  	s4 =	smov.u32 s6;
	s0 =	sadd.s32 $0x800, s0;
	[sflag:s23] =	ssyncset.done $0x0  }
0x4d: {  	s2 =	sadd.s32 s2, s22;
	[sflag:s23] =	ssyncadd.s32 $0xFFFFC000  }
0x4e: {  	[tilespmem:s3], [sflag:$0x1] =	stream.linear.gather [hbm4b:s2+s3], $0x80, $0x38;
	[tilespmem:$0x18080] =	vst v63  }
0x4f: {  	_ =	swait.ge [sflag:s23], $0x80  }
0x50: {  	[sflag:s23] =	ssyncset.done $0x0  }
0x51: {  	[sflag:s23] =	ssyncadd.s32 $0xFFFFFF80  }
0x52: {  	[tilespmem:s24], [sflag:$0x1] =	stream.linear.gather [hbm4b:s0+s3], $0x4000, $0x38;
	[tilespmem:$0x18080] =	vst v63  }
0x53: {  	_ =	swait.ge [sflag:s23], $0x4000  }
0x54: {  	[sflag:s23] =	ssyncset.done $0x0  }
0x55: {  	[sflag:s23] =	ssyncadd.s32 $0xFFFFC000  }
0x56: {  	[spmem:s1] =	stream.indirect.scatter.add.f32 [tilespmem:s24], [sflag:$0x1], $0x80, s3, s24, $0xb8;
	[tilespmem:$0x18080] =	vst v63  }
0x57: {  	_ =	swait.ge [sflag:s23], $0x4000  }
0x58: {  	[sflag:s23] =	ssyncset.done $0x0  }
0x59: {  	[sflag:s23] =	ssyncadd.s32 $0xFFFFC000  }
0x5a: {  	[bflag:$0x0] =	sbarrier.arrive $0xFFFF  }
0x5b: {  	s6 =	rddreg [dreg:$0x3]  }
0x5c: {  	[hbm:s6], [sflag:s8] =	dma.local [spmem:s26], $0x800  }
0x5d: {  	_ =	swait.ge [sflag:s23], $0x800  }
0x5e: {  	[sflag:s23] =	ssyncset.done $0x0  }
0x5f: {  	[sflag:s23] =	ssyncadd.s32 $0xFFFFF800  }
0x60: {  	[hbm:s17], [sflag:s8] =	dma.local [spmem:s28], $0x800  }
0x61: {  	_ =	swait.ge [sflag:s23], $0x800  }
0x62: {  	[sflag:s23] =	ssyncset.done $0x0  }
0x63: {  	[sflag:s23] =	ssyncadd.s32 $0xFFFFF800  }
0x64: {  	[hbm:s18], [sflag:s8] =	dma.local [spmem:s29], $0x800  }
0x65: {  	_ =	swait.ge [sflag:s23], $0x800  }
0x66: {  	[sflag:s23] =	ssyncset.done $0x0  }
0x67: {  	[sflag:s23] =	ssyncadd.s32 $0xFFFFF800  }
0x68: {  	[hbm:s19], [sflag:s8] =	dma.local [spmem:s30], $0x800  }
0x69: {  	_ =	swait.ge [sflag:s23], $0x800  }
0x6a: {  	[sflag:s23] =	ssyncset.done $0x0  }
0x6b: {  	[sflag:s23] =	ssyncadd.s32 $0xFFFFF800  }
0x6c: {  	[hbm:s20], [sflag:s8] =	dma.local [spmem:s31], $0x800  }
0x6d: {  	_ =	swait.ge [sflag:s23], $0x800  }
0x6e: {  	s25 =	sadd.s32 $0x1, s25;
	s31 =	rddreg [dreg:$0x4]  }
0x6f: {  	p0 =	sne.s32 s25, s31  }
.Ltmp1:
0x70: {  	_ = 	snop;
	(pc) =	sbr.rel @p0 .LBB2_1-.Ltmp1, $3  }
0x71: {  	_ =	sdelay $0x1  }
0x72: {  	[sflag:s23] =	ssyncset.done $0x0  }
0x73: {  	[sflag:s23] =	ssyncadd.s32 $0xFFFFF800  }
0x74: {  	_ =	sfence.sel $0x180000  }
0x75: {  	[bflag:$0x0] =	sbarrier.arrive $0xFFFF  }
0x76: {  	_ =	strace $0x9000004A  }
0x77: {  	s0 =	stileid.u32;
	[bflag:$0x2] =	sbarrier.arrive $0xFFFF  }
0x78: {  	p0 =	sne.s32 s0, $0x0;
	s0 =	rddreg [dreg:$0x2]  }
0x79: {  	s0 =	sadd.s32 @!p0 $0x100000, s0  }
0x7a: {  	[sflag:s0] =	ssyncadd.tile.s32 @!p0 $0x1;
	_ =	shalt  }
.Lfunc_end2:
_tile_overlayer_lowered:
.L_overlay_start_2:
0x7b: {  	(tag) =	ssettag $0x2  }
0x7c: {  	s0 =	rddreg [dreg:$0x0];
	s2 =	stileid.u32  }
0x7d: {  	s1 =	rddreg [dreg:$0x1];
	p0 =	sne.s32 s2, $0x0  }
0x7e: {  	s3 =	rddreg [dreg:$0x2];
	[bflag:$0x3] =	sbarrier.arrive $0xFFFF;
	s2 =	simm.s32 @!p0 $0x1C01  }
0x7f: {  	[timem:s3], [sflag:s2] =	dma.local @!p0 [hbm:s0], s1  }
0x80: {  	s0 =	simm.s32 @!p0 $0x1  }
0x81: {  	_ =	swait.ge @!p0 [sflag:s0], s1  }
0x82: {  	s1 =	ssub.s32 @!p0 $0x0, s1;
	[sflag:s0] =	ssyncset.done @!p0 $0x0  }
0x83: {  	[sflag:s0] =	ssyncadd.s32 @!p0 s1  }
0x84: {  	[bflag:$0x3] =	sbarrier.arrive $0xFFFF  }
0x85: {  	_ =	shalt  }

// kernel: kernel.16.cloned.1.call-start
scs
__scs_entry_jumppad:
0x0: {  	(pc) =	sbr.rel $0x88, $3  }
0x1: {  	(tag) =	ssettag $0x0;
	lr =	simm.s32 $0x1  }
0x2: {  	[smem:$0x3F98] =	sst lr;
	_ =	strace $0xD0000000  }
0x3: {  	_ = 	snop  }
0x4: {  	_ = 	snop  }
0x5: {  	_ = 	snop  }
0x6: {  	_ = 	snop  }
0x7: {  	_ = 	snop  }
__scs_overlays_trampoline_lowered:
0x8: {  	[smem:$0x3FA7] =	sst s0  }
0x9: {  	[smem:$0x3FA8] =	sst s1  }
0xa: {  	[smem:$0x3FA9] =	sst s2  }
0xb: {  	[smem:$0x3FAA] =	sst s3  }
0xc: {  	[smem:$0x3FAB] =	sst s4  }
0xd: {  	[smem:$0x3FAC] =	sst s5  }
0xe: {  	[smem:$0x3FAD] =	sst s6  }
0xf: {  	[smem:$0x3FAE] =	sst s7  }
0x10: {  	[smem:$0x3FAF] =	sst s8  }
0x11: {  	[smem:$0x3FB0] =	sst s9;
	s0 =	simm.s32 @!p0 $0x0  }
0x12: {  	s1 =	sld [smem:$0x3F96];
	s0 =	simm.s32 @p0 $0x1  }
0x13: {  	[smem:$0x3FB1] =	sst s0;
	s0 =	simm.s32 @!p1 $0x0  }
0x14: {  	s2 =	sld [smem:$0x3F95];
	s0 =	simm.s32 @p1 $0x1  }
0x15: {  	[smem:$0x3FB2] =	sst s0;
	s0 =	simm.s32 @!p2 $0x0  }
0x16: {  	s3 =	sld [smem:$0x3FDB];
	s0 =	simm.s32 @p2 $0x1  }
0x17: {  	s4 =	simm.s32 $0x1BF5;
	[smem:$0x3FB4] =	sst s0  }
0x18: {  	s0 =	sld [smem:$0x3F97];
	_ =	swait.ge [sflag:s4], $0x0  }
0x19: {  	s7 =	sld [smem:$0x3F98]  }
0x1a: {  	s8 =	sadd.s32 $0xFFFFE003, lr  }
0x1b: {  	s9 =	sadd.s32 $0xFFFFFEF7, lr;
	s5 =	simm.s32 $0xFFFFFFFF;
	p2 =	slt.u32 s8, $0xFFFFF086  }
0x1c: {  	p1 =	slt.u32 s9, $0xF7A;
	s5 =	simm.s32 @!p2 $0x0  }
0x1d: {  	s5 =	simm.s32 @p1 $0x1;
	p0 =	seq.s32 s7, s2  }
0x1e: {  	s7 =	smul.u32 @!p0 $0xF7A, s2;
	p2 =	seq.s32 @!p0 s5, $0x0  }
0x1f: {  	s9 =	smul.u32 $0xF7A, s1;
	s8 =	simm.s32 @!p0 $0x1BF5;
	p2 =	por !p2, p0  }
0x20: {  	[sflag:s8] =	ssyncset.s32 @!p0 $0xFFFFF086;
	s6 =	sadd.s32 @!p0 s3, s7;
	s7 =	simm.s32 @!p0 $0x108  }
0x21: {  	s3 =	sadd.s32 s3, s9;
	s6 =	sadd.s32 @!p0 $0x88, s6;
	s7 =	simm.s32 @p2 $0x1082  }
0x22: {  	[simem:s7], [sflag:s8] =	dma.local @!p0 [hbm:s6], $0xF7A  }
0x23: {  	s9 =	sor.u32 $0xD0000000, s2;
	s6 =	simm.s32 $0x108;
	_ =	swait.ge @!p0 [sflag:s8], $0x0  }
0x24: {  	s3 =	sadd.s32 $0x88, s3;
	s6 =	simm.s32 @!p1 $0x1082;
	[sflag:s4] =	ssyncset.s32 $0xFFFFF086  }
0x25: {  	[simem:s6], [sflag:s4] =	dma.local [hbm:s3], $0xF7A  }
0x26: {  	[smem:$0x3F98] =	sst s1;
	(tag) =	ssettag s2;
	_ =	strace s9  }
0x27: {  	s1 =	sld [smem:$0x3FA8]  }
0x28: {  	s2 =	sld [smem:$0x3FA9]  }
0x29: {  	s4 =	sld [smem:$0x3FAB]  }
0x2a: {  	p0 =	seq.s32 s5, $0x0;
	s5 =	sld [smem:$0x3FAC]  }
0x2b: {  	s6 =	sld [smem:$0x3FAD]  }
0x2c: {  	s7 =	sld [smem:$0x3FAE]  }
0x2d: {  	s3 =	simm.s32 $0x108;
	s8 =	sld [smem:$0x3FAF]  }
0x2e: {  	s3 =	simm.s32 @!p0 $0x1082;
	s9 =	sld [smem:$0x3FB0]  }
0x2f: {  	lr =	sadd.s32 s0, s3;
	s0 =	sld [smem:$0x3FA7]  }
0x30: {  	s3 =	sld [smem:$0x3FAA]  }
0x31: {  	[smem:$0x3FB3] =	sst s10  }
0x32: {  	s10 =	sld [smem:$0x3FB1];
	_ =	sdelay $0x3  }
0x33: {  	p0 =	seq.s32 s10, $0x1;
	s10 =	sld [smem:$0x3FB3];
	_ =	sdelay $0x3  }
0x34: {  	[smem:$0x3FB3] =	sst s10  }
0x35: {  	s10 =	sld [smem:$0x3FB2];
	_ =	sdelay $0x3  }
0x36: {  	p1 =	seq.s32 s10, $0x1;
	s10 =	sld [smem:$0x3FB3];
	_ =	sdelay $0x3  }
0x37: {  	[smem:$0x3FB3] =	sst s10  }
0x38: {  	s10 =	sld [smem:$0x3FB4]  }
0x39: {  	_ = 	snop;
	(pc) =	sbr.ind lr, $3  }
0x3a: {  	_ = 	snop  }
0x3b: {  	_ = 	snop  }
0x3c: {  	p2 =	seq.s32 s10, $0x1;
	s10 =	sld [smem:$0x3FB3]  }
0x3d: {  	_ =	shalt  }
0x3e: {  	_ =	shalt  }
0x3f: {  	_ =	shalt  }
0x40: {  	_ =	shalt  }
0x41: {  	_ =	shalt  }
0x42: {  	_ =	shalt  }
0x43: {  	_ =	shalt  }
0x44: {  	_ =	shalt  }
0x45: {  	_ =	shalt  }
0x46: {  	_ =	shalt  }
0x47: {  	_ =	shalt  }
0x48: {  	_ =	shalt  }
0x49: {  	_ =	shalt  }
0x4a: {  	_ =	shalt  }
0x4b: {  	_ =	shalt  }
0x4c: {  	_ =	shalt  }
0x4d: {  	_ =	shalt  }
0x4e: {  	_ =	shalt  }
0x4f: {  	_ =	shalt  }
0x50: {  	_ =	shalt  }
0x51: {  	_ =	shalt  }
0x52: {  	_ =	shalt  }
0x53: {  	_ =	shalt  }
0x54: {  	_ =	shalt  }
0x55: {  	_ =	shalt  }
0x56: {  	_ =	shalt  }
0x57: {  	_ =	shalt  }
0x58: {  	_ =	shalt  }
0x59: {  	_ =	shalt  }
0x5a: {  	_ =	shalt  }
0x5b: {  	_ =	shalt  }
0x5c: {  	_ =	shalt  }
0x5d: {  	_ =	shalt  }
0x5e: {  	_ =	shalt  }
0x5f: {  	_ =	shalt  }
0x60: {  	_ =	shalt  }
0x61: {  	_ =	shalt  }
0x62: {  	_ =	shalt  }
0x63: {  	_ =	shalt  }
0x64: {  	_ =	shalt  }
0x65: {  	_ =	shalt  }
0x66: {  	_ =	shalt  }
0x67: {  	_ =	shalt  }
0x68: {  	_ =	shalt  }
0x69: {  	_ =	shalt  }
0x6a: {  	_ =	shalt  }
0x6b: {  	_ =	shalt  }
0x6c: {  	_ =	shalt  }
0x6d: {  	_ =	shalt  }
0x6e: {  	_ =	shalt  }
0x6f: {  	_ =	shalt  }
0x70: {  	_ =	shalt  }
0x71: {  	_ =	shalt  }
0x72: {  	_ =	shalt  }
0x73: {  	_ =	shalt  }
0x74: {  	_ =	shalt  }
0x75: {  	_ =	shalt  }
0x76: {  	_ =	shalt  }
0x77: {  	_ =	shalt  }
0x78: {  	_ =	shalt  }
0x79: {  	_ =	shalt  }
0x7a: {  	_ =	shalt  }
0x7b: {  	_ =	shalt  }
0x7c: {  	_ =	shalt  }
0x7d: {  	_ =	shalt  }
0x7e: {  	_ =	shalt  }
0x7f: {  	_ =	shalt  }
0x80: {  	_ =	shalt  }
0x81: {  	_ =	shalt  }
0x82: {  	_ =	shalt  }
0x83: {  	_ =	shalt  }
0x84: {  	_ =	shalt  }
0x85: {  	_ =	shalt  }
0x86: {  	_ =	shalt  }
0x87: {  	_ =	shalt  }
.Lfunc_end0:
.L_simem_size_0:
called_computation.2_lowered:
.L_overlay_start_0:
0x88: {  	s2 =	sld [smem:$0x3FD9]  }
0x89: {  	s3 =	sld [smem:$0x3FFE];
	_ =	sdelay $0x1  }
0x8a: {  	s1 =	srdreg.scid  }
0x8b: {  	s0 =	sand.u32 $0x1, s1  }
0x8c: {  	s17 =	sshll.u32 s0, $0xA;
	s2 =	sadd.s32 s3, s2  }
0x8d: {  	s2 =	sadd.s32 s2, s17  }
0x8e: {  	[smem:$0x3FBF] =	sst s2  }
0x8f: {  	_ = 	snop  }
0x90: {  	s2 =	sld [smem:$0x3FD0];
	(tm) =	ssettm $0x1  }
0x91: {  	s18 =	sld [smem:$0x3FFB];
	_ =	sdelay $0x3  }
0x92: {  	_ =	strace s18  }
0x93: {  	s3 =	sld [smem:$0x3FFC];
	_ =	sdelay $0x3  }
0x94: {  	_ =	strace s3  }
0x95: {  	s3 =	sld [smem:$0x3FFD];
	_ =	sdelay $0x3  }
0x96: {  	_ =	strace s3  }
0x97: {  	_ =	strace $0x8FFFFFFF  }
0x98: {  	s19 =	sld [smem:$0x3FDB];
	_ =	sdelay $0x1  }
0x99: {  	s4 =	simm.s32 $_scs_section_size  }
0x9a: {  	s5 =	simm.s32 $_size__tile_overlayer_lowered;
	s6 =	simm.s32 $_tile_overlayer_lowered  }
0x9b: {  	s22 =	simm.s32 $0x1BFF;
	s21 =	sshll.u32 s6, $0x1;
	s3 =	sadd.s32 s4, s19  }
0x9c: {  	s7 =	simm.s32 $0x0;
	s20 =	sshll.u32 s5, $0x1;
	s5 =	sadd.s32 s21, s3  }
0x9d: {  	[timem:s7], [sflag:s22] =	dma.local [hbm:s5], s20  }
0x9e: {  	_ =	swait.ge [sflag:s22], s20  }
0x9f: {  	s4 =	ssub.s32 $0x0, s20;
	[sflag:s22] =	ssyncset.done $0x0  }
0xa0: {  	[sflag:s22] =	ssyncadd.s32 s4;
	_ =	sdelay $0x1  }
0xa1: {  	s23 =	simm.s32 $0x1B8B  }
0xa2: {  	_ =	swait.ge [sflag:s23], $0x1  }
0xa3: {  	[sflag:s23] =	ssyncset.done $0x0  }
0xa4: {  	s25 =	simm.s32 $0x1B8E;
	s24 =	sld [smem:$0x3FFE];
	[sflag:s23] =	ssyncadd.s32 $0xFFFFFFFF  }
0xa5: {  	s26 =	simm.s32 $execute0_lowered;
	[smem:$0x3FD2] =	sst s25  }
0xa6: {  	s5 =	sshll.u32 s26, $0x1;
	_ =	strace $0x8000004C;
	[dreg:$0x1] =	wrdreg $0xFFFFFFFF  }
0xa7: {  	s28 =	simm.s32 $_size_execute0_lowered;
	s3 =	sadd.s32 s3, s5;
	[dreg:$0x0] =	wrdreg $0x0  }
0xa8: {  	s5 =	sshll.u32 s28, $0x1;
	[dreg:$0x2] =	wrdreg s3  }
0xa9: {  	[dreg:$0x3] =	wrdreg s5  }
0xaa: {  	[dreg:$0x4] =	wrdreg $0xC0  }
0xab: {  	_ =	task [dreg:s7], $0x5FFFF  }
0xac: {  	[dreg:$0x1] =	wrdreg $0xFFFFFFFF  }
0xad: {  	[dreg:$0x0] =	wrdreg $0x60  }
0xae: {  	[dreg:$0x2] =	wrdreg s2  }
0xaf: {  	[dreg:$0x3] =	wrdreg s24  }
0xb0: {  	[dreg:$0x4] =	wrdreg $0x9  }
0xb1: {  	_ =	task.clear_ibuf [dreg:s7], $0x5FFFF;
	_ =	strace $0x9000004C  }
0xb2: {  	s29 =	simm.s32 $0x9;
	_ =	strace $0x8000004E  }
0xb3: {  	_ =	swait.ge [sflag:s29], $0x1  }
0xb4: {  	[sflag:s29] =	ssyncadd.s32 $0xFFFFFFFF  }
0xb5: {  	_ =	strace $0x9000004E  }
0xb6: {  	_ =	sfence  }
0xb7: {  	s30 =	sld [smem:$0x0];
	_ =	sdelay $0x2  }
0xb8: {  	s31 =	sshll.u32 s1, $0xD;
	s1 =	sshrl.u32 s1, $0x2  }
0xb9: {  	s3 =	sand.u32 $0x4000, s31;
	s1 =	sadd.s32 s1, s30  }
0xba: {  	s0 =	sor.u32 s3, s0;
	s1 =	sshll.u32 s1, $0x11  }
0xbb: {  	s0 =	sor.u32 s1, s0  }
0xbc: {  	s0 =	sadd.s32 $0x8F2B, s0  }
0xbd: {  	[sflag:s0] =	ssyncadd.remote.s32 $0x1  }
0xbe: {  	_ =	sfence.sel $0xFFFF  }
0xbf: {  	[dreg:$0x0] =	wrdreg $0xFFFFFFFF;
	(pc) =	sbr.abs _section_cstart, $3  }
0xc0: {  	[dreg:$0x1] =	wrdreg $0xFFFFFFFF  }
0xc1: {  	_ =	task.clear_ibuf [dreg:s7], $0x2FFFF;
	_ =	strace $0x9FFFFFFF  }
0xc2: {  	(tm) =	ssettm $0x7FFFFFFF  }
0xc3: {  	_ =	shalt  }
tec
execute0_lowered:
.L_overlay_start_1:
0x0: {  	(tag) =	ssettag $0x1  }
0x1: {  	s1 =	rddreg [dreg:$0x0]  }
0x2: {  	s0 =	srdreg.scid;
	s2 =	stileid.u32  }
0x3: {  	s4 =	rddreg [dreg:$0x1];
	s5 =	sand.u32 $0x1, s0;
	s8 =	smul.u32 $0x27800, s2  }
0x4: {  	s3 =	simm.s32 $0x0;
	s0 =	rddreg [dreg:$0x2];
	s6 =	smul.u32 $0x4F00, s5  }
0x5: {  	[smem:$0x7FF] =	sst s3;
	s7 =	smul.u32 $0x278000, s5;
	s5 =	ssub.s32 $0x2, s5  }
0x6: {  	s10 =	smul.u32 $0x4F0, s2;
	_ =	strace $0x8000004D;
	s9 =	sshrl.u32 s5, $0x1  }
0x7: {  	s6 =	sadd.s32 s6, s4;
	s7 =	sadd.s32 s7, s4;
	s30 =	ssub.s32 s5, s9  }
0x8: {  	s9 =	simm.s32 $0x1;
	s4 =	smax.u32 s30, $0x1;
	s31 =	sadd.s32 s8, s7  }
0x9: {  	s6 =	sadd.s32 s10, s6;
	s7 =	simm.s32 $0x2;
	s8 =	simm.s32 $0x80  }
0xa: {  	s10 =	simm.s32 $0x0;
	s5 =	sadd.s32 $0xC000, s31;
	s6 =	sadd.s32 $0x2200, s6  }
.LBB2_1:
0xb: {  	s11 =	sadd.s32 $0x0, s6  }
0xc: {  	[tilespmem:s3], [sflag:$0x2] =	stream.linear.gather [hbm4b:s11+s3], $0x80, $0x38;
	[tilespmem:$0x4080] =	vst v63  }
0xd: {  	_ =	swait.ge [sflag:s7], $0x80  }
0xe: {  	[sflag:s7] =	ssyncset.done $0x0  }
0xf: {  	[sflag:s7] =	ssyncadd.s32 $0xFFFFFF80  }
0x10: {  	[tilespmem:s8], [sflag:$0x1] =	stream.indirect.gather [hbm4b:s1+s8], $0x80, s3, s8, $0xb8;
	[tilespmem:$0x4080] =	vst v63  }
0x11: {  	_ =	swait.ge [sflag:s9], $0x4000  }
0x12: {  	[sflag:s9] =	ssyncset.done $0x0  }
0x13: {  	[sflag:s9] =	ssyncadd.s32 $0xFFFFC000  }
0x14: {  	[hbm4b:s5+s3] =	stream.linear.scatter [tilespmem:s8], [sflag:$0x2], $0x4000, $0x38;
	[tilespmem:$0x4080] =	vst v63  }
0x15: {  	s12 =	simm.s32 $0x10;
	_ =	swait.ge [sflag:s7], $0x4000  }
0x16: {  	s13 =	simm.s32 $0x20;
	s11 =	sadd.s32 $0x800, s5;
	[sflag:s7] =	ssyncset.done $0x0  }
.LBB2_2:
0x17: {  	s14 =	sadd.s32 s12, s6  }
0x18: {  	[sflag:s7] =	ssyncadd.s32 $0xFFFFC000;
	s12 =	smov.u32 s13;
	s15 =	sadd.s32 $0x10, s13  }
0x19: {  	[tilespmem:s3], [sflag:$0x2] =	stream.linear.gather [hbm4b:s14+s3], $0x80, $0x38;
	[tilespmem:$0x4080] =	vst v63  }
0x1a: {  	p0 =	sne.s32 s13, $0x4E0;
	_ =	swait.ge [sflag:s7], $0x80  }
0x1b: {  	[sflag:s7] =	ssyncset.done $0x0  }
0x1c: {  	[sflag:s7] =	ssyncadd.s32 $0xFFFFFF80  }
0x1d: {  	[tilespmem:s8], [sflag:$0x1] =	stream.indirect.gather [hbm4b:s1+s8], $0x80, s3, s8, $0xb8;
	[tilespmem:$0x4080] =	vst v63  }
0x1e: {  	_ =	swait.ge [sflag:s9], $0x4000  }
.Ltmp0:
0x1f: {  	[sflag:s9] =	ssyncset.done $0x0;
	(pc) =	sbr.rel @p0 .LBB2_2-.Ltmp0, $4  }
0x20: {  	[sflag:s9] =	ssyncadd.s32 $0xFFFFC000  }
0x21: {  	[hbm4b:s11+s3] =	stream.linear.scatter [tilespmem:s8], [sflag:$0x2], $0x4000, $0x38;
	[tilespmem:$0x4080] =	vst v63  }
0x22: {  	_ =	swait.ge [sflag:s7], $0x4000  }
0x23: {  	s13 =	smov.u32 s15;
	s11 =	sadd.s32 $0x800, s11;
	[sflag:s7] =	ssyncset.done $0x0  }
0x24: {  	s12 =	sadd.s32 s12, s6;
	[sflag:s7] =	ssyncadd.s32 $0xFFFFC000  }
0x25: {  	[tilespmem:s3], [sflag:$0x2] =	stream.linear.gather [hbm4b:s12+s3], $0x80, $0x38;
	[tilespmem:$0x4080] =	vst v63  }
0x26: {  	_ =	swait.ge [sflag:s7], $0x80  }
0x27: {  	[sflag:s7] =	ssyncset.done $0x0  }
0x28: {  	[sflag:s7] =	ssyncadd.s32 $0xFFFFFF80  }
0x29: {  	[tilespmem:s8], [sflag:$0x1] =	stream.indirect.gather [hbm4b:s1+s8], $0x80, s3, s8, $0xb8;
	[tilespmem:$0x4080] =	vst v63  }
0x2a: {  	s10 =	sadd.s32 $0x1, s10;
	_ =	swait.ge [sflag:s9], $0x4000  }
0x2b: {  	p0 =	sne.s32 s10, s4;
	[sflag:s9] =	ssyncset.done $0x0  }
.Ltmp1:
0x2c: {  	[sflag:s9] =	ssyncadd.s32 $0xFFFFC000;
	(pc) =	sbr.rel @p0 .LBB2_1-.Ltmp1, $4  }
0x2d: {  	[hbm4b:s11+s3] =	stream.linear.scatter [tilespmem:s8], [sflag:$0x2], $0x4000, $0x38;
	[tilespmem:$0x4080] =	vst v63  }
0x2e: {  	_ =	swait.ge [sflag:s7], $0x4000  }
0x2f: {  	[sflag:s7] =	ssyncset.done $0x0  }
0x30: {  	[sflag:s7] =	ssyncadd.s32 $0xFFFFC000  }
0x31: {  	_ =	sfence.sel $0x180000  }
0x32: {  	[bflag:$0x0] =	sbarrier.arrive $0xFFFF  }
0x33: {  	p0 =	sne.s32 s2, $0x0;
	_ =	strace $0x9000004D  }
0x34: {  	s0 =	sadd.s32 @!p0 $0x100000, s0;
	[bflag:$0x2] =	sbarrier.arrive $0xFFFF  }
0x35: {  	[sflag:s0] =	ssyncadd.tile.s32 @!p0 $0x1;
	_ =	shalt  }
.Lfunc_end2:
_tile_overlayer_lowered:
.L_overlay_start_2:
0x36: {  	(tag) =	ssettag $0x2  }
0x37: {  	s0 =	rddreg [dreg:$0x0];
	s2 =	stileid.u32  }
0x38: {  	s1 =	rddreg [dreg:$0x1];
	p0 =	sne.s32 s2, $0x0  }
0x39: {  	s3 =	rddreg [dreg:$0x2];
	[bflag:$0x3] =	sbarrier.arrive $0xFFFF;
	s2 =	simm.s32 @!p0 $0x1C02  }
0x3a: {  	[timem:s3], [sflag:s2] =	dma.local @!p0 [hbm:s0], s1  }
0x3b: {  	s0 =	simm.s32 @!p0 $0x2  }
0x3c: {  	_ =	swait.ge @!p0 [sflag:s0], s1  }
0x3d: {  	s1 =	ssub.s32 @!p0 $0x0, s1;
	[sflag:s0] =	ssyncset.done @!p0 $0x0  }
0x3e: {  	[sflag:s0] =	ssyncadd.s32 @!p0 s1  }
0x3f: {  	[bflag:$0x3] =	sbarrier.arrive $0xFFFF  }
0x40: {  	_ =	shalt  }

// kernel: kernel.19.cloned.1.call-start
scs
__scs_entry_jumppad:
0x0: {  	(pc) =	sbr.rel $0x88, $3  }
0x1: {  	(tag) =	ssettag $0x0;
	lr =	simm.s32 $0x1  }
0x2: {  	[smem:$0x3F98] =	sst lr;
	_ =	strace $0xD0000000  }
0x3: {  	_ = 	snop  }
0x4: {  	_ = 	snop  }
0x5: {  	_ = 	snop  }
0x6: {  	_ = 	snop  }
0x7: {  	_ = 	snop  }
__scs_overlays_trampoline_lowered:
0x8: {  	[smem:$0x3FA7] =	sst s0  }
0x9: {  	[smem:$0x3FA8] =	sst s1  }
0xa: {  	[smem:$0x3FA9] =	sst s2  }
0xb: {  	[smem:$0x3FAA] =	sst s3  }
0xc: {  	[smem:$0x3FAB] =	sst s4  }
0xd: {  	[smem:$0x3FAC] =	sst s5  }
0xe: {  	[smem:$0x3FAD] =	sst s6  }
0xf: {  	[smem:$0x3FAE] =	sst s7  }
0x10: {  	[smem:$0x3FAF] =	sst s8  }
0x11: {  	[smem:$0x3FB0] =	sst s9;
	s0 =	simm.s32 @!p0 $0x0  }
0x12: {  	s1 =	sld [smem:$0x3F96];
	s0 =	simm.s32 @p0 $0x1  }
0x13: {  	[smem:$0x3FB1] =	sst s0;
	s0 =	simm.s32 @!p1 $0x0  }
0x14: {  	s2 =	sld [smem:$0x3F95];
	s0 =	simm.s32 @p1 $0x1  }
0x15: {  	[smem:$0x3FB2] =	sst s0;
	s0 =	simm.s32 @!p2 $0x0  }
0x16: {  	s3 =	sld [smem:$0x3FDB];
	s0 =	simm.s32 @p2 $0x1  }
0x17: {  	s4 =	simm.s32 $0x1BF5;
	[smem:$0x3FB4] =	sst s0  }
0x18: {  	s0 =	sld [smem:$0x3F97];
	_ =	swait.ge [sflag:s4], $0x0  }
0x19: {  	s7 =	sld [smem:$0x3F98]  }
0x1a: {  	s8 =	sadd.s32 $0xFFFFE003, lr  }
0x1b: {  	s9 =	sadd.s32 $0xFFFFFEF7, lr;
	s5 =	simm.s32 $0xFFFFFFFF;
	p2 =	slt.u32 s8, $0xFFFFF086  }
0x1c: {  	p1 =	slt.u32 s9, $0xF7A;
	s5 =	simm.s32 @!p2 $0x0  }
0x1d: {  	s5 =	simm.s32 @p1 $0x1;
	p0 =	seq.s32 s7, s2  }
0x1e: {  	s7 =	smul.u32 @!p0 $0xF7A, s2;
	p2 =	seq.s32 @!p0 s5, $0x0  }
0x1f: {  	s9 =	smul.u32 $0xF7A, s1;
	s8 =	simm.s32 @!p0 $0x1BF5;
	p2 =	por !p2, p0  }
0x20: {  	[sflag:s8] =	ssyncset.s32 @!p0 $0xFFFFF086;
	s6 =	sadd.s32 @!p0 s3, s7;
	s7 =	simm.s32 @!p0 $0x108  }
0x21: {  	s3 =	sadd.s32 s3, s9;
	s6 =	sadd.s32 @!p0 $0x88, s6;
	s7 =	simm.s32 @p2 $0x1082  }
0x22: {  	[simem:s7], [sflag:s8] =	dma.local @!p0 [hbm:s6], $0xF7A  }
0x23: {  	s9 =	sor.u32 $0xD0000000, s2;
	s6 =	simm.s32 $0x108;
	_ =	swait.ge @!p0 [sflag:s8], $0x0  }
0x24: {  	s3 =	sadd.s32 $0x88, s3;
	s6 =	simm.s32 @!p1 $0x1082;
	[sflag:s4] =	ssyncset.s32 $0xFFFFF086  }
0x25: {  	[simem:s6], [sflag:s4] =	dma.local [hbm:s3], $0xF7A  }
0x26: {  	[smem:$0x3F98] =	sst s1;
	(tag) =	ssettag s2;
	_ =	strace s9  }
0x27: {  	s1 =	sld [smem:$0x3FA8]  }
0x28: {  	s2 =	sld [smem:$0x3FA9]  }
0x29: {  	s4 =	sld [smem:$0x3FAB]  }
0x2a: {  	p0 =	seq.s32 s5, $0x0;
	s5 =	sld [smem:$0x3FAC]  }
0x2b: {  	s6 =	sld [smem:$0x3FAD]  }
0x2c: {  	s7 =	sld [smem:$0x3FAE]  }
0x2d: {  	s3 =	simm.s32 $0x108;
	s8 =	sld [smem:$0x3FAF]  }
0x2e: {  	s3 =	simm.s32 @!p0 $0x1082;
	s9 =	sld [smem:$0x3FB0]  }
0x2f: {  	lr =	sadd.s32 s0, s3;
	s0 =	sld [smem:$0x3FA7]  }
0x30: {  	s3 =	sld [smem:$0x3FAA]  }
0x31: {  	[smem:$0x3FB3] =	sst s10  }
0x32: {  	s10 =	sld [smem:$0x3FB1];
	_ =	sdelay $0x3  }
0x33: {  	p0 =	seq.s32 s10, $0x1;
	s10 =	sld [smem:$0x3FB3];
	_ =	sdelay $0x3  }
0x34: {  	[smem:$0x3FB3] =	sst s10  }
0x35: {  	s10 =	sld [smem:$0x3FB2];
	_ =	sdelay $0x3  }
0x36: {  	p1 =	seq.s32 s10, $0x1;
	s10 =	sld [smem:$0x3FB3];
	_ =	sdelay $0x3  }
0x37: {  	[smem:$0x3FB3] =	sst s10  }
0x38: {  	s10 =	sld [smem:$0x3FB4]  }
0x39: {  	_ = 	snop;
	(pc) =	sbr.ind lr, $3  }
0x3a: {  	_ = 	snop  }
0x3b: {  	_ = 	snop  }
0x3c: {  	p2 =	seq.s32 s10, $0x1;
	s10 =	sld [smem:$0x3FB3]  }
0x3d: {  	_ =	shalt  }
0x3e: {  	_ =	shalt  }
0x3f: {  	_ =	shalt  }
0x40: {  	_ =	shalt  }
0x41: {  	_ =	shalt  }
0x42: {  	_ =	shalt  }
0x43: {  	_ =	shalt  }
0x44: {  	_ =	shalt  }
0x45: {  	_ =	shalt  }
0x46: {  	_ =	shalt  }
0x47: {  	_ =	shalt  }
0x48: {  	_ =	shalt  }
0x49: {  	_ =	shalt  }
0x4a: {  	_ =	shalt  }
0x4b: {  	_ =	shalt  }
0x4c: {  	_ =	shalt  }
0x4d: {  	_ =	shalt  }
0x4e: {  	_ =	shalt  }
0x4f: {  	_ =	shalt  }
0x50: {  	_ =	shalt  }
0x51: {  	_ =	shalt  }
0x52: {  	_ =	shalt  }
0x53: {  	_ =	shalt  }
0x54: {  	_ =	shalt  }
0x55: {  	_ =	shalt  }
0x56: {  	_ =	shalt  }
0x57: {  	_ =	shalt  }
0x58: {  	_ =	shalt  }
0x59: {  	_ =	shalt  }
0x5a: {  	_ =	shalt  }
0x5b: {  	_ =	shalt  }
0x5c: {  	_ =	shalt  }
0x5d: {  	_ =	shalt  }
0x5e: {  	_ =	shalt  }
0x5f: {  	_ =	shalt  }
0x60: {  	_ =	shalt  }
0x61: {  	_ =	shalt  }
0x62: {  	_ =	shalt  }
0x63: {  	_ =	shalt  }
0x64: {  	_ =	shalt  }
0x65: {  	_ =	shalt  }
0x66: {  	_ =	shalt  }
0x67: {  	_ =	shalt  }
0x68: {  	_ =	shalt  }
0x69: {  	_ =	shalt  }
0x6a: {  	_ =	shalt  }
0x6b: {  	_ =	shalt  }
0x6c: {  	_ =	shalt  }
0x6d: {  	_ =	shalt  }
0x6e: {  	_ =	shalt  }
0x6f: {  	_ =	shalt  }
0x70: {  	_ =	shalt  }
0x71: {  	_ =	shalt  }
0x72: {  	_ =	shalt  }
0x73: {  	_ =	shalt  }
0x74: {  	_ =	shalt  }
0x75: {  	_ =	shalt  }
0x76: {  	_ =	shalt  }
0x77: {  	_ =	shalt  }
0x78: {  	_ =	shalt  }
0x79: {  	_ =	shalt  }
0x7a: {  	_ =	shalt  }
0x7b: {  	_ =	shalt  }
0x7c: {  	_ =	shalt  }
0x7d: {  	_ =	shalt  }
0x7e: {  	_ =	shalt  }
0x7f: {  	_ =	shalt  }
0x80: {  	_ =	shalt  }
0x81: {  	_ =	shalt  }
0x82: {  	_ =	shalt  }
0x83: {  	_ =	shalt  }
0x84: {  	_ =	shalt  }
0x85: {  	_ =	shalt  }
0x86: {  	_ =	shalt  }
0x87: {  	_ =	shalt  }
.Lfunc_end0:
.L_simem_size_0:
called_computation.3_lowered:
.L_overlay_start_0:
0x88: {  	s2 =	sld [smem:$0x3FD9]  }
0x89: {  	s3 =	sld [smem:$0x3FFE];
	_ =	sdelay $0x1  }
0x8a: {  	s1 =	srdreg.scid  }
0x8b: {  	s0 =	sand.u32 $0x1, s1  }
0x8c: {  	s16 =	sshll.u32 s0, $0xA;
	s2 =	sadd.s32 s3, s2  }
0x8d: {  	s2 =	sadd.s32 s2, s16  }
0x8e: {  	[smem:$0x3FBF] =	sst s2  }
0x8f: {  	_ = 	snop  }
0x90: {  	(tm) =	ssettm $0x1  }
0x91: {  	s17 =	sld [smem:$0x3FFB];
	_ =	sdelay $0x3  }
0x92: {  	_ =	strace s17  }
0x93: {  	s2 =	sld [smem:$0x3FFC];
	_ =	sdelay $0x3  }
0x94: {  	_ =	strace s2  }
0x95: {  	s2 =	sld [smem:$0x3FFD];
	_ =	sdelay $0x3  }
0x96: {  	_ =	strace s2  }
0x97: {  	_ =	strace $0x8FFFFFFF  }
0x98: {  	s18 =	sld [smem:$0x3FDB];
	_ =	sdelay $0x1  }
0x99: {  	s19 =	simm.s32 $_scs_section_size  }
0x9a: {  	s4 =	simm.s32 $_size__tile_overlayer_lowered;
	s5 =	simm.s32 $_tile_overlayer_lowered  }
0x9b: {  	s22 =	simm.s32 $0x1BFF;
	s21 =	sshll.u32 s5, $0x1;
	s2 =	sadd.s32 s19, s18  }
0x9c: {  	s6 =	simm.s32 $0x0;
	s20 =	sshll.u32 s4, $0x1;
	s4 =	sadd.s32 s21, s2  }
0x9d: {  	[timem:s6], [sflag:s22] =	dma.local [hbm:s4], s20  }
0x9e: {  	_ =	swait.ge [sflag:s22], s20  }
0x9f: {  	s3 =	ssub.s32 $0x0, s20;
	[sflag:s22] =	ssyncset.done $0x0  }
0xa0: {  	[sflag:s22] =	ssyncadd.s32 s3;
	_ =	sdelay $0x1  }
0xa1: {  	s23 =	simm.s32 $0x1B8B  }
0xa2: {  	_ =	swait.ge [sflag:s23], $0x1  }
0xa3: {  	[sflag:s23] =	ssyncset.done $0x0  }
0xa4: {  	s25 =	simm.s32 $0x1B8E;
	s24 =	sld [smem:$0x3FFE];
	[sflag:s23] =	ssyncadd.s32 $0xFFFFFFFF  }
0xa5: {  	s26 =	simm.s32 $execute0_lowered;
	[smem:$0x3FD2] =	sst s25  }
0xa6: {  	s4 =	sshll.u32 s26, $0x1;
	_ =	strace $0x8000004F;
	[dreg:$0x1] =	wrdreg $0xFFFFFFFF  }
0xa7: {  	s28 =	simm.s32 $_size_execute0_lowered;
	s2 =	sadd.s32 s2, s4;
	[dreg:$0x0] =	wrdreg $0x0  }
0xa8: {  	s4 =	sshll.u32 s28, $0x1;
	[dreg:$0x2] =	wrdreg s2  }
0xa9: {  	[dreg:$0x3] =	wrdreg s4  }
0xaa: {  	[dreg:$0x4] =	wrdreg $0xC0  }
0xab: {  	_ =	task [dreg:s6], $0x5FFFF  }
0xac: {  	[dreg:$0x1] =	wrdreg $0xFFFFFFFF  }
0xad: {  	[dreg:$0x0] =	wrdreg $0x60  }
0xae: {  	[dreg:$0x2] =	wrdreg s24  }
0xaf: {  	[dreg:$0x3] =	wrdreg $0x40800  }
0xb0: {  	[dreg:$0x4] =	wrdreg $0x9  }
0xb1: {  	_ =	task.clear_ibuf [dreg:s6], $0x5FFFF;
	_ =	strace $0x9000004F  }
0xb2: {  	s29 =	simm.s32 $0x9;
	_ =	strace $0x80000051  }
0xb3: {  	_ =	swait.ge [sflag:s29], $0x1  }
0xb4: {  	[sflag:s29] =	ssyncadd.s32 $0xFFFFFFFF  }
0xb5: {  	_ =	strace $0x90000051  }
0xb6: {  	_ =	sfence  }
0xb7: {  	s30 =	sld [smem:$0x0];
	_ =	sdelay $0x2  }
0xb8: {  	s31 =	sshll.u32 s1, $0xD;
	s1 =	sshrl.u32 s1, $0x2  }
0xb9: {  	s3 =	sand.u32 $0x4000, s31;
	s1 =	sadd.s32 s1, s30  }
0xba: {  	s0 =	sor.u32 s3, s0;
	s1 =	sshll.u32 s1, $0x11  }
0xbb: {  	s0 =	sor.u32 s1, s0  }
0xbc: {  	s0 =	sadd.s32 $0x8F2B, s0  }
0xbd: {  	[sflag:s0] =	ssyncadd.remote.s32 $0x1  }
0xbe: {  	_ =	sfence.sel $0xFFFF  }
0xbf: {  	[dreg:$0x0] =	wrdreg $0xFFFFFFFF;
	(pc) =	sbr.abs _section_cstart, $3  }
0xc0: {  	[dreg:$0x1] =	wrdreg $0xFFFFFFFF  }
0xc1: {  	_ =	task.clear_ibuf [dreg:s6], $0x2FFFF;
	_ =	strace $0x9FFFFFFF  }
0xc2: {  	(tm) =	ssettm $0x7FFFFFFF  }
0xc3: {  	_ =	shalt  }
tec
execute0_lowered:
.L_overlay_start_1:
0x0: {  	(tag) =	ssettag $0x1  }
0x1: {  	s23 =	stileid.u32  }
0x2: {  	s6 =	smul.u32 $0x14000, s23  }
0x3: {  	s7 =	smul.u32 $0x50000, s23  }
0x4: {  	s13 =	smul.u32 $0x280, s23  }
0x5: {  	s25 =	smul.u32 $0x2800, s23  }
0x6: {  	s2 =	srdreg.scid;
	s29 =	smul.u32 $0x27800, s23  }
0x7: {  	s2 =	sand.u32 $0x1, s2;
	s26 =	sshll.u32 s23, $0x6;
	s23 =	smul.u32 $0x4F0, s23  }
0x8: {  	s0 =	rddreg [dreg:$0x0];
	s4 =	smul.u32 $0x278000, s2  }
0x9: {  	s1 =	rddreg [dreg:$0x1];
	s3 =	simm.s32 $0x0;
	s5 =	smul.u32 $0x4F00, s2  }
0xa: {  	[smem:$0x7FF] =	sst s3;
	s16 =	sadd.s32 $0x505E00, s0;
	s17 =	smul.u32 $0x140000, s2  }
0xb: {  	_ =	strace $0x80000050;
	s2 =	ssub.s32 $0x2, s2;
	s8 =	sor.u32 $0x1C01, s26  }
0xc: {  	s22 =	sshrl.u32 s2, $0x1;
	s24 =	sshrl.u32 s7, $0x2;
	s10 =	sadd.s32 $0x80, s13  }
0xd: {  	s7 =	sadd.s32 s16, s25;
	s11 =	sadd.s32 $0x100, s13;
	s14 =	sadd.s32 $0x180, s13  }
0xe: {  	s25 =	simm.s32 $0x0;
	s4 =	sadd.s32 s4, s0;
	s20 =	sadd.s32 s5, s0  }
0xf: {  	s0 =	sadd.s32 $0x2200, s0;
	s21 =	sadd.s32 s17, s6;
	s2 =	ssub.s32 s2, s22  }
0x10: {  	s28 =	sshll.u32 s10, $0x7;
	s10 =	sshll.u32 s10, $0x4;
	s18 =	sshll.u32 s11, $0x7  }
0x11: {  	s12 =	sshll.u32 s11, $0x4;
	s19 =	sshll.u32 s14, $0x7;
	s14 =	sshll.u32 s14, $0x4  }
0x12: {  	s5 =	sshrl.u32 s21, $0x3;
	s2 =	smax.u32 s2, $0x1;
	s9 =	sadd.s32 s28, s1  }
0x13: {  	s10 =	sadd.s32 s16, s10;
	s11 =	sadd.s32 s18, s1;
	s12 =	sadd.s32 s16, s12  }
0x14: {  	s21 =	sadd.s32 $0x200, s13;
	s13 =	sadd.s32 s19, s1;
	s14 =	sadd.s32 s16, s14  }
0x15: {  	s18 =	sadd.s32 s17, s18;
	s19 =	sadd.s32 s17, s19;
	s4 =	sadd.s32 s29, s4  }
0x16: {  	s31 =	sadd.s32 s23, s20;
	s23 =	simm.s32 $0x1;
	s5 =	sadd.s32 s0, s5  }
0x17: {  	[dreg:$0x4] =	wrdreg s2;
	s2 =	sadd.s32 s24, s1;
	s22 =	sshll.u32 s21, $0x7  }
0x18: {  	s21 =	sshll.u32 s21, $0x4;
	s18 =	sshrl.u32 s18, $0x3;
	[dreg:$0x3] =	wrdreg s5  }
0x19: {  	s19 =	sshrl.u32 s19, $0x3;
	s24 =	simm.s32 $0x80;
	[dreg:$0x5] =	wrdreg s2  }
0x1a: {  	s15 =	sadd.s32 s22, s1;
	s2 =	sadd.s32 s17, s28;
	s16 =	sadd.s32 s16, s21  }
0x1b: {  	s22 =	sadd.s32 s17, s22;
	s18 =	sadd.s32 s0, s18;
	s19 =	sadd.s32 s0, s19  }
0x1c: {  	s21 =	sadd.s32 $0xED7E00, s4;
	s2 =	sshrl.u32 s2, $0x3;
	s30 =	sshrl.u32 s22, $0x3  }
0x1d: {  	s22 =	sadd.s32 $0x4FC000, s31;
	s17 =	sadd.s32 s0, s2;
	s20 =	sadd.s32 s0, s30  }
.LBB2_1:
0x1e: {  	s0 =	rddreg [dreg:$0x5]  }
0x1f: {  	s26 =	sshrl.u32 s0, $0x3  }
0x20: {  	[spmem:s26], [sflag:s8] =	dma.local [hbm:s7], $0x800  }
0x21: {  	_ =	swait.ge [sflag:s23], $0x800  }
0x22: {  	[sflag:s23] =	ssyncset.done $0x0  }
0x23: {  	s28 =	sshrl.u32 s9, $0x3;
	[sflag:s23] =	ssyncadd.s32 $0xFFFFF800  }
0x24: {  	[spmem:s28], [sflag:s8] =	dma.local [hbm:s10], $0x800  }
0x25: {  	_ =	swait.ge [sflag:s23], $0x800  }
0x26: {  	[sflag:s23] =	ssyncset.done $0x0  }
0x27: {  	s29 =	sshrl.u32 s11, $0x3;
	[sflag:s23] =	ssyncadd.s32 $0xFFFFF800  }
0x28: {  	[spmem:s29], [sflag:s8] =	dma.local [hbm:s12], $0x800  }
0x29: {  	_ =	swait.ge [sflag:s23], $0x800  }
0x2a: {  	[sflag:s23] =	ssyncset.done $0x0  }
0x2b: {  	s30 =	sshrl.u32 s13, $0x3;
	[sflag:s23] =	ssyncadd.s32 $0xFFFFF800  }
0x2c: {  	[spmem:s30], [sflag:s8] =	dma.local [hbm:s14], $0x800  }
0x2d: {  	_ =	swait.ge [sflag:s23], $0x800  }
0x2e: {  	[sflag:s23] =	ssyncset.done $0x0  }
0x2f: {  	s31 =	sshrl.u32 s15, $0x3;
	[sflag:s23] =	ssyncadd.s32 $0xFFFFF800  }
0x30: {  	[spmem:s31], [sflag:s8] =	dma.local [hbm:s16], $0x800  }
0x31: {  	_ =	swait.ge [sflag:s23], $0x800  }
0x32: {  	[sflag:s23] =	ssyncset.done $0x0  }
0x33: {  	[sflag:s23] =	ssyncadd.s32 $0xFFFFF800  }
0x34: {  	s6 =	sadd.s32 $0x0, s22;
	[bflag:$0x0] =	sbarrier.arrive $0xFFFF  }
0x35: {  	[tilespmem:s3], [sflag:$0x1] =	stream.linear.gather [hbm4b:s6+s3], $0x80, $0x38;
	[tilespmem:$0x18080] =	vst v63  }
0x36: {  	_ =	swait.ge [sflag:s23], $0x80  }
0x37: {  	[sflag:s23] =	ssyncset.done $0x0  }
0x38: {  	[sflag:s23] =	ssyncadd.s32 $0xFFFFFF80  }
0x39: {  	[tilespmem:s24], [sflag:$0x1] =	stream.linear.gather [hbm4b:s21+s3], $0x4000, $0x38;
	[tilespmem:$0x18080] =	vst v63  }
0x3a: {  	_ =	swait.ge [sflag:s23], $0x4000  }
0x3b: {  	[sflag:s23] =	ssyncset.done $0x0  }
0x3c: {  	[sflag:s23] =	ssyncadd.s32 $0xFFFFC000  }
0x3d: {  	[spmem:s1] =	stream.indirect.scatter.add.f32 [tilespmem:s24], [sflag:$0x1], $0x80, s3, s24, $0xb8;
	[tilespmem:$0x18080] =	vst v63  }
0x3e: {  	s2 =	simm.s32 $0x10;
	_ =	swait.ge [sflag:s23], $0x4000  }
0x3f: {  	s4 =	simm.s32 $0x20;
	s0 =	sadd.s32 $0x800, s21;
	[sflag:s23] =	ssyncset.done $0x0  }
.LBB2_2:
0x40: {  	s5 =	sadd.s32 s2, s22  }
0x41: {  	[sflag:s23] =	ssyncadd.s32 $0xFFFFC000;
	s2 =	smov.u32 s4;
	s6 =	sadd.s32 $0x10, s4  }
0x42: {  	[tilespmem:s3], [sflag:$0x1] =	stream.linear.gather [hbm4b:s5+s3], $0x80, $0x38;
	[tilespmem:$0x18080] =	vst v63  }
0x43: {  	p0 =	sne.s32 s4, $0x4E0;
	_ =	swait.ge [sflag:s23], $0x80  }
0x44: {  	[sflag:s23] =	ssyncset.done $0x0  }
0x45: {  	[sflag:s23] =	ssyncadd.s32 $0xFFFFFF80  }
0x46: {  	[tilespmem:s24], [sflag:$0x1] =	stream.linear.gather [hbm4b:s0+s3], $0x4000, $0x38;
	[tilespmem:$0x18080] =	vst v63  }
0x47: {  	_ =	swait.ge [sflag:s23], $0x4000  }
.Ltmp0:
0x48: {  	[sflag:s23] =	ssyncset.done $0x0;
	(pc) =	sbr.rel @p0 .LBB2_2-.Ltmp0, $4  }
0x49: {  	[sflag:s23] =	ssyncadd.s32 $0xFFFFC000  }
0x4a: {  	[spmem:s1] =	stream.indirect.scatter.add.f32 [tilespmem:s24], [sflag:$0x1], $0x80, s3, s24, $0xb8;
	[tilespmem:$0x18080] =	vst v63  }
0x4b: {  	_ =	swait.ge [sflag:s23], $0x4000  }
0x4c: {  	s4 =	smov.u32 s6;
	s0 =	sadd.s32 $0x800, s0;
	[sflag:s23] =	ssyncset.done $0x0  }
0x4d: {  	s2 =	sadd.s32 s2, s22;
	[sflag:s23] =	ssyncadd.s32 $0xFFFFC000  }
0x4e: {  	[tilespmem:s3], [sflag:$0x1] =	stream.linear.gather [hbm4b:s2+s3], $0x80, $0x38;
	[tilespmem:$0x18080] =	vst v63  }
0x4f: {  	_ =	swait.ge [sflag:s23], $0x80  }
0x50: {  	[sflag:s23] =	ssyncset.done $0x0  }
0x51: {  	[sflag:s23] =	ssyncadd.s32 $0xFFFFFF80  }
0x52: {  	[tilespmem:s24], [sflag:$0x1] =	stream.linear.gather [hbm4b:s0+s3], $0x4000, $0x38;
	[tilespmem:$0x18080] =	vst v63  }
0x53: {  	_ =	swait.ge [sflag:s23], $0x4000  }
0x54: {  	[sflag:s23] =	ssyncset.done $0x0  }
0x55: {  	[sflag:s23] =	ssyncadd.s32 $0xFFFFC000  }
0x56: {  	[spmem:s1] =	stream.indirect.scatter.add.f32 [tilespmem:s24], [sflag:$0x1], $0x80, s3, s24, $0xb8;
	[tilespmem:$0x18080] =	vst v63  }
0x57: {  	_ =	swait.ge [sflag:s23], $0x4000  }
0x58: {  	[sflag:s23] =	ssyncset.done $0x0  }
0x59: {  	[sflag:s23] =	ssyncadd.s32 $0xFFFFC000  }
0x5a: {  	[bflag:$0x0] =	sbarrier.arrive $0xFFFF  }
0x5b: {  	s6 =	rddreg [dreg:$0x3]  }
0x5c: {  	[hbm:s6], [sflag:s8] =	dma.local [spmem:s26], $0x800  }
0x5d: {  	_ =	swait.ge [sflag:s23], $0x800  }
0x5e: {  	[sflag:s23] =	ssyncset.done $0x0  }
0x5f: {  	[sflag:s23] =	ssyncadd.s32 $0xFFFFF800  }
0x60: {  	[hbm:s17], [sflag:s8] =	dma.local [spmem:s28], $0x800  }
0x61: {  	_ =	swait.ge [sflag:s23], $0x800  }
0x62: {  	[sflag:s23] =	ssyncset.done $0x0  }
0x63: {  	[sflag:s23] =	ssyncadd.s32 $0xFFFFF800  }
0x64: {  	[hbm:s18], [sflag:s8] =	dma.local [spmem:s29], $0x800  }
0x65: {  	_ =	swait.ge [sflag:s23], $0x800  }
0x66: {  	[sflag:s23] =	ssyncset.done $0x0  }
0x67: {  	[sflag:s23] =	ssyncadd.s32 $0xFFFFF800  }
0x68: {  	[hbm:s19], [sflag:s8] =	dma.local [spmem:s30], $0x800  }
0x69: {  	_ =	swait.ge [sflag:s23], $0x800  }
0x6a: {  	[sflag:s23] =	ssyncset.done $0x0  }
0x6b: {  	[sflag:s23] =	ssyncadd.s32 $0xFFFFF800  }
0x6c: {  	[hbm:s20], [sflag:s8] =	dma.local [spmem:s31], $0x800  }
0x6d: {  	_ =	swait.ge [sflag:s23], $0x800  }
0x6e: {  	s25 =	sadd.s32 $0x1, s25;
	s31 =	rddreg [dreg:$0x4]  }
0x6f: {  	p0 =	sne.s32 s25, s31  }
.Ltmp1:
0x70: {  	_ = 	snop;
	(pc) =	sbr.rel @p0 .LBB2_1-.Ltmp1, $3  }
0x71: {  	_ =	sdelay $0x1  }
0x72: {  	[sflag:s23] =	ssyncset.done $0x0  }
0x73: {  	[sflag:s23] =	ssyncadd.s32 $0xFFFFF800  }
0x74: {  	_ =	sfence.sel $0x180000  }
0x75: {  	[bflag:$0x0] =	sbarrier.arrive $0xFFFF  }
0x76: {  	_ =	strace $0x90000050  }
0x77: {  	s0 =	stileid.u32;
	[bflag:$0x2] =	sbarrier.arrive $0xFFFF  }
0x78: {  	p0 =	sne.s32 s0, $0x0;
	s0 =	rddreg [dreg:$0x2]  }
0x79: {  	s0 =	sadd.s32 @!p0 $0x100000, s0  }
0x7a: {  	[sflag:s0] =	ssyncadd.tile.s32 @!p0 $0x1;
	_ =	shalt  }
.Lfunc_end2:
_tile_overlayer_lowered:
.L_overlay_start_2:
0x7b: {  	(tag) =	ssettag $0x2  }
0x7c: {  	s0 =	rddreg [dreg:$0x0];
	s2 =	stileid.u32  }
0x7d: {  	s1 =	rddreg [dreg:$0x1];
	p0 =	sne.s32 s2, $0x0  }
0x7e: {  	s3 =	rddreg [dreg:$0x2];
	[bflag:$0x3] =	sbarrier.arrive $0xFFFF;
	s2 =	simm.s32 @!p0 $0x1C01  }
0x7f: {  	[timem:s3], [sflag:s2] =	dma.local @!p0 [hbm:s0], s1  }
0x80: {  	s0 =	simm.s32 @!p0 $0x1  }
0x81: {  	_ =	swait.ge @!p0 [sflag:s0], s1  }
0x82: {  	s1 =	ssub.s32 @!p0 $0x0, s1;
	[sflag:s0] =	ssyncset.done @!p0 $0x0  }
0x83: {  	[sflag:s0] =	ssyncadd.s32 @!p0 s1  }
0x84: {  	[bflag:$0x3] =	sbarrier.arrive $0xFFFF  }
0x85: {  	_ =	shalt  }

</sc_bundles>
